<compile_context>
chip_gen: v7x
topology: tpu7x:2x2x1
jax: 0.10.2.dev20260603
libtpu: 0.0.44.dev20260713+nightly
codegen_flags: <defaults>
</compile_context>

<pallas_src>
import functools

import jax
import jax.numpy as jnp
from jax import lax
from jax.experimental import pallas as pl
from jax.experimental.pallas import tpu as pltpu
from jax.experimental.pallas import tpu_sc as plsc

B = 16384
D = 64
NEG = 20
COLS = NEG + 1
NC, NS = 2, 16
NW = NC * NS
RPW = B // NW
C = 64
NCHUNK = RPW // C
NEG_ROWS = C * NEG
NIDX_W = 128
NSTREAM = NEG_ROWS // NIDX_W
NG_ROWS_PER_W = RPW * NEG // NIDX_W


def _sc_scores(pos_input, pos_item, neg_idx2d, input_embeddings,
               item_embeddings):
    mesh = plsc.VectorSubcoreMesh(core_axis_name="c", subcore_axis_name="s")

    @functools.partial(
        pl.kernel,
        out_type=jax.ShapeDtypeStruct((B * COLS,), jnp.float32),
        mesh=mesh,
        scratch_types=[
            pltpu.VMEM((C,), jnp.int32),
            pltpu.VMEM((C,), jnp.int32),
            pltpu.VMEM((NEG_ROWS,), jnp.int32),
            pltpu.VMEM((C, D), jnp.float32),
            pltpu.VMEM((C, D), jnp.float32),
            pltpu.VMEM((NEG_ROWS, D), jnp.float32),
            pltpu.VMEM((C * COLS,), jnp.float32),
            pltpu.SemaphoreType.DMA,
        ],
        compiler_params=pltpu.CompilerParams(needs_layout_passes=False,
                                             use_tc_tiling_on_sc=False),
    )
    def sc_kernel(pi_hbm, it_hbm, ng_hbm, utab_hbm, itab_hbm, out_hbm,
                  pi_v, it_v, ng_v, user_v, item_v, neg_v, sc_v, sem):
        wid = lax.axis_index("s") * NC + lax.axis_index("c")
        lane0 = lax.iota(jnp.int32, 16) < 1

        def chunk_body(ci, carry):
            base = wid * RPW + ci * C
            pltpu.sync_copy(pi_hbm.at[pl.ds(base, C)], pi_v)
            pltpu.sync_copy(it_hbm.at[pl.ds(base, C)], it_v)
            pltpu.sync_copy(ng_hbm.at[pl.ds(base * NEG, NEG_ROWS)], ng_v)
            copies = [
                pltpu.async_copy(utab_hbm.at[pi_v], user_v, sem),
                pltpu.async_copy(itab_hbm.at[it_v], item_v, sem),
            ]
            for j in range(NSTREAM):
                copies.append(
                    pltpu.async_copy(itab_hbm.at[ng_v.at[pl.ds(j * NIDX_W,
                                                               NIDX_W)]],
                                     neg_v.at[pl.ds(j * NIDX_W, NIDX_W)],
                                     sem))
            for cpy in copies:
                cpy.wait()

            def row_body(r, rcarry):
                u0 = user_v[r, pl.ds(0, 16)]
                u1 = user_v[r, pl.ds(16, 16)]
                u2 = user_v[r, pl.ds(32, 16)]
                u3 = user_v[r, pl.ds(48, 16)]
                acc = (item_v[r, pl.ds(0, 16)] * u0
                       + item_v[r, pl.ds(16, 16)] * u1
                       + item_v[r, pl.ds(32, 16)] * u2
                       + item_v[r, pl.ds(48, 16)] * u3)
                s0 = -jnp.sum(acc)
                plsc.store_scatter(
                    sc_v, [jnp.full((16,), r * COLS, jnp.int32)],
                    jnp.full((16,), s0, jnp.float32), mask=lane0)

                def neg_body(j, ncarry):
                    nr = r * NEG + j
                    a = (neg_v[nr, pl.ds(0, 16)] * u0
                         + neg_v[nr, pl.ds(16, 16)] * u1
                         + neg_v[nr, pl.ds(32, 16)] * u2
                         + neg_v[nr, pl.ds(48, 16)] * u3)
                    s = jnp.sum(a)
                    plsc.store_scatter(
                        sc_v, [jnp.full((16,), r * COLS + 1 + j, jnp.int32)],
                        jnp.full((16,), s, jnp.float32), mask=lane0)
                    return ncarry

                lax.fori_loop(0, NEG, neg_body, 0, unroll=5)
                return rcarry

            lax.fori_loop(0, C, row_body, 0)
            pltpu.sync_copy(sc_v, out_hbm.at[pl.ds(base * COLS, C * COLS)])
            return carry

        lax.fori_loop(0, NCHUNK, chunk_body, 0)

    return sc_kernel(pos_input, pos_item, neg_idx2d, input_embeddings,
                     item_embeddings)


def _tc_reduce(scores):
    def body(s_ref, o_ref):
        x = s_ref[...]
        xc = jnp.clip(x, -10.0, 10.0)
        sp = jnp.log(1.0 + jnp.exp(xc))
        o_ref[0, 0] = jnp.sum(sp) * (1.0 / B)

    return pl.pallas_call(
        body,
        out_shape=jax.ShapeDtypeStruct((1, 1), jnp.float32),
        out_specs=pl.BlockSpec(memory_space=pltpu.SMEM),
    )(scores)


def kernel(pos_input, pos_item, neg_item, input_embeddings, item_embeddings):
    pi = pos_input.astype(jnp.int32)
    it = pos_item.astype(jnp.int32)
    ng = neg_item.astype(jnp.int32).reshape(B * NEG)
    scores = _sc_scores(pi, it, ng, input_embeddings, item_embeddings)
    return _tc_reduce(scores.reshape(B, COLS))[0, 0]

# --- scband reference (transcript-rebuilt; emitter-appended) ---
"""Pipeline reference for scband-one-tower-41351945125907 (READ-ONLY COPY).

The authoritative reference and input builder live on the scoring server;
editing this copy changes nothing except your own understanding.
"""

import jax, jax.numpy as jnp
import numpy as np

CORPUS_SIZE = 1000000
INPUT_DIM = 64
ITEM_DIM = 64
TEMPERATURE = 1.0


def setup_inputs(seed: int = 0) -> dict:
    key = jax.random.key(seed)
    k1, k2, k3, k4, k5 = jax.random.split(key, 5)
    pos_input = jax.random.randint(k1, (16384,), 0, CORPUS_SIZE, dtype=jnp.int64 if jax.config.jax_enable_x64 else jnp.int32)
    pos_item = jax.random.randint(k2, (16384,), 0, CORPUS_SIZE, dtype=jnp.int64 if jax.config.jax_enable_x64 else jnp.int32)
    neg_item = jax.random.randint(k3, (16384, 20), 0, CORPUS_SIZE, dtype=jnp.int64 if jax.config.jax_enable_x64 else jnp.int32)
    input_initrange = 1.0 / INPUT_DIM
    item_initrange = 1.0 / ITEM_DIM
    input_embeddings = jax.random.uniform(k4, (CORPUS_SIZE, INPUT_DIM), minval=-input_initrange, maxval=input_initrange, dtype=jnp.float32)
    item_embeddings = jax.random.uniform(k5, (CORPUS_SIZE, ITEM_DIM), minval=-item_initrange, maxval=item_initrange, dtype=jnp.float32)
    return {
        "pos_input": pos_input,
        "pos_item": pos_item,
        "neg_item": neg_item,
        "input_embeddings": input_embeddings,
        "item_embeddings": item_embeddings,
    }


def reference(pos_input, pos_item, neg_item, input_embeddings, item_embeddings):
    # single_layer=True, entity_type='page', two_tower=False, normalize=False
    emb_user = jnp.take(input_embeddings, pos_input, axis=0)          # [B, 64]
    emb_item = jnp.take(item_embeddings, pos_item, axis=0)            # [B, 64]
    emb_neg_item = jnp.take(item_embeddings, neg_item, axis=0)        # [B, 20, 64]

    score = jnp.sum(emb_user * emb_item, axis=1) / TEMPERATURE
    score = jnp.clip(score, -10.0, 10.0)
    score = -jax.nn.log_sigmoid(score)

    # bmm(emb_neg_item, emb_user.unsqueeze(2)).squeeze() -> [B, 20]
    neg_score = jnp.einsum('bnd,bd->bn', emb_neg_item, emb_user) / TEMPERATURE
    neg_score = jnp.clip(neg_score, -10.0, 10.0)
    neg_score = -jnp.sum(jax.nn.log_sigmoid(-neg_score), axis=1)

    return jnp.mean(score + neg_score)

if __name__ == "__main__":
    import jax
    _d = setup_inputs()
    print(jax.jit(kernel)(*tuple(_d.values())))

</pallas_src>

<mosaic_0001>
#map = affine_map<(d0, d1) -> (0)>
#map1 = affine_map<(d0, d1) -> (0, 0)>
module attributes {stable_mosaic.version = 14 : i64} {
  func.func @sc_kernel(%arg0: i32, %arg1: i32, %arg2: memref<16384xi32, #tpu.memory_space<hbm>>, %arg3: memref<16384xi32, #tpu.memory_space<hbm>>, %arg4: memref<327680xi32, #tpu.memory_space<hbm>>, %arg5: memref<1000000x64xf32, #tpu.memory_space<hbm>>, %arg6: memref<1000000x64xf32, #tpu.memory_space<hbm>>, %arg7: memref<344064xf32, #tpu.memory_space<hbm>>, %arg8: memref<64xi32, #tpu.memory_space<vmem>>, %arg9: memref<64xi32, #tpu.memory_space<vmem>>, %arg10: memref<1280xi32, #tpu.memory_space<vmem>>, %arg11: memref<64x64xf32, #tpu.memory_space<vmem>>, %arg12: memref<64x64xf32, #tpu.memory_space<vmem>>, %arg13: memref<1280x64xf32, #tpu.memory_space<vmem>>, %arg14: memref<1344xf32, #tpu.memory_space<vmem>>, %arg15: memref<!tpu.dma_semaphore, #tpu.memory_space<semaphore_mem>>) attributes {dimension_semantics = [#tpu.dimension_semantics<core_parallel>, #tpu.dimension_semantics<subcore_parallel>], iteration_bounds = array<i64: 2, 16>, scalar_prefetch = 0 : i64, scratch_operands = 8 : i64, tpu.core_type = #tpu.core_type<sc_vector_subcore>, window_params = [{transform_indices = #map}, {transform_indices = #map}, {transform_indices = #map}, {transform_indices = #map1}, {transform_indices = #map1}, {transform_indices = #map}]} {
    %mul3A = arith.constant 2 : i32
    %mul3A_0 = arith.muli %arg1, %mul3A : i32
    %add3A = arith.addi %mul3A_0, %arg0 : i32
    %iota3A = tpu.iota {dimensions = array<i32: 0>} : vector<16xi32>
    %lt3A = arith.constant 1 : i32
    %lt3A_1 = vector.broadcast %lt3A : i32 to vector<16xi32>
    %lt3A_2 = arith.cmpi slt, %iota3A, %lt3A_1 : vector<16xi32>
    %scan3A = arith.constant 0 : i32
    %scan3A_3 = arith.constant 0 : i32
    %scan3A_4 = arith.constant 8 : i32
    %scan3A_5 = arith.addi %scan3A_3, %scan3A_4 : i32
    %scan3A_6 = arith.constant 1 : i32
    scf.for %scan3A_8 = %scan3A_3 to %scan3A_5 step %scan3A_6  : i32 {
      %mul3A_9 = arith.constant 512 : i32
      %mul3A_10 = arith.muli %add3A, %mul3A_9 : i32
      %mul3A_11 = arith.constant 64 : i32
      %mul3A_12 = arith.muli %scan3A_8, %mul3A_11 : i32
      %add3A_13 = arith.addi %mul3A_10, %mul3A_12 : i32
      "tpu.region"() ({
        %run_scoped3A = tpu.sem_alloc : memref<!tpu.dma_semaphore, #tpu.memory_space<semaphore_mem>>
        %dma_start3A_194 = tpu.memref_slice %arg2[%add3A_13] : memref<16384xi32, #tpu.memory_space<hbm>> -> memref<64xi32, #tpu.memory_space<hbm>>
        %dma_start3A_195 = tpu.memref_slice %arg2[%add3A_13] : memref<16384xi32, #tpu.memory_space<hbm>> -> memref<64xi32, #tpu.memory_space<hbm>>
        tpu.enqueue_dma source(%dma_start3A_195 : memref<64xi32, #tpu.memory_space<hbm>>) target(%arg8 : memref<64xi32, #tpu.memory_space<vmem>>) target_semaphore(%run_scoped3A : memref<!tpu.dma_semaphore, #tpu.memory_space<semaphore_mem>>)
        %dma_wait3A_196 = tpu.memref_slice %arg2[%add3A_13] : memref<16384xi32, #tpu.memory_space<hbm>> -> memref<64xi32, #tpu.memory_space<hbm>>
        %dma_wait3A_197 = tpu.memref_slice %arg2[%add3A_13] : memref<16384xi32, #tpu.memory_space<hbm>> -> memref<64xi32, #tpu.memory_space<hbm>>
        tpu.wait_dma2 semaphore(%run_scoped3A : memref<!tpu.dma_semaphore, #tpu.memory_space<semaphore_mem>>) src(%dma_wait3A_197 : memref<64xi32, #tpu.memory_space<hbm>>) dst(%arg8 : memref<64xi32, #tpu.memory_space<vmem>>)
        tpu.yield
      }) : () -> ()
      "tpu.region"() ({
        %run_scoped3A = tpu.sem_alloc : memref<!tpu.dma_semaphore, #tpu.memory_space<semaphore_mem>>
        %dma_start3A_194 = tpu.memref_slice %arg3[%add3A_13] : memref<16384xi32, #tpu.memory_space<hbm>> -> memref<64xi32, #tpu.memory_space<hbm>>
        %dma_start3A_195 = tpu.memref_slice %arg3[%add3A_13] : memref<16384xi32, #tpu.memory_space<hbm>> -> memref<64xi32, #tpu.memory_space<hbm>>
        tpu.enqueue_dma source(%dma_start3A_195 : memref<64xi32, #tpu.memory_space<hbm>>) target(%arg9 : memref<64xi32, #tpu.memory_space<vmem>>) target_semaphore(%run_scoped3A : memref<!tpu.dma_semaphore, #tpu.memory_space<semaphore_mem>>)
        %dma_wait3A_196 = tpu.memref_slice %arg3[%add3A_13] : memref<16384xi32, #tpu.memory_space<hbm>> -> memref<64xi32, #tpu.memory_space<hbm>>
        %dma_wait3A_197 = tpu.memref_slice %arg3[%add3A_13] : memref<16384xi32, #tpu.memory_space<hbm>> -> memref<64xi32, #tpu.memory_space<hbm>>
        tpu.wait_dma2 semaphore(%run_scoped3A : memref<!tpu.dma_semaphore, #tpu.memory_space<semaphore_mem>>) src(%dma_wait3A_197 : memref<64xi32, #tpu.memory_space<hbm>>) dst(%arg9 : memref<64xi32, #tpu.memory_space<vmem>>)
        tpu.yield
      }) : () -> ()
      %mul3A_14 = arith.constant 20 : i32
      %mul3A_15 = arith.muli %add3A_13, %mul3A_14 : i32
      "tpu.region"() ({
        %run_scoped3A = tpu.sem_alloc : memref<!tpu.dma_semaphore, #tpu.memory_space<semaphore_mem>>
        %dma_start3A_194 = tpu.memref_slice %arg4[%mul3A_15] : memref<327680xi32, #tpu.memory_space<hbm>> -> memref<1280xi32, #tpu.memory_space<hbm>>
        %dma_start3A_195 = tpu.memref_slice %arg4[%mul3A_15] : memref<327680xi32, #tpu.memory_space<hbm>> -> memref<1280xi32, #tpu.memory_space<hbm>>
        tpu.enqueue_dma source(%dma_start3A_195 : memref<1280xi32, #tpu.memory_space<hbm>>) target(%arg10 : memref<1280xi32, #tpu.memory_space<vmem>>) target_semaphore(%run_scoped3A : memref<!tpu.dma_semaphore, #tpu.memory_space<semaphore_mem>>)
        %dma_wait3A_196 = tpu.memref_slice %arg4[%mul3A_15] : memref<327680xi32, #tpu.memory_space<hbm>> -> memref<1280xi32, #tpu.memory_space<hbm>>
        %dma_wait3A_197 = tpu.memref_slice %arg4[%mul3A_15] : memref<327680xi32, #tpu.memory_space<hbm>> -> memref<1280xi32, #tpu.memory_space<hbm>>
        tpu.wait_dma2 semaphore(%run_scoped3A : memref<!tpu.dma_semaphore, #tpu.memory_space<semaphore_mem>>) src(%dma_wait3A_197 : memref<1280xi32, #tpu.memory_space<hbm>>) dst(%arg10 : memref<1280xi32, #tpu.memory_space<vmem>>)
        tpu.yield
      }) : () -> ()
      %dma_start3A = arith.constant 0 : i32
      %dma_start3A_16 = arith.constant 0 : i32
      %dma_start3A_17 = tpu.memref_slice %arg5[%dma_start3A, %dma_start3A_16] : memref<1000000x64xf32, #tpu.memory_space<hbm>> -> memref<1000000x64xf32, #tpu.memory_space<hbm>>
      tpu.enqueue_indirect_dma source(%dma_start3A_17 : memref<1000000x64xf32, #tpu.memory_space<hbm>>) target(%arg11 : memref<64x64xf32, #tpu.memory_space<vmem>>) offsets(%arg8 : memref<64xi32, #tpu.memory_space<vmem>>) semaphore(%arg15 : memref<!tpu.dma_semaphore, #tpu.memory_space<semaphore_mem>>)
      %dma_start3A_18 = arith.constant 0 : i32
      %dma_start3A_19 = arith.constant 0 : i32
      %dma_start3A_20 = tpu.memref_slice %arg6[%dma_start3A_18, %dma_start3A_19] : memref<1000000x64xf32, #tpu.memory_space<hbm>> -> memref<1000000x64xf32, #tpu.memory_space<hbm>>
      tpu.enqueue_indirect_dma source(%dma_start3A_20 : memref<1000000x64xf32, #tpu.memory_space<hbm>>) target(%arg12 : memref<64x64xf32, #tpu.memory_space<vmem>>) offsets(%arg9 : memref<64xi32, #tpu.memory_space<vmem>>) semaphore(%arg15 : memref<!tpu.dma_semaphore, #tpu.memory_space<semaphore_mem>>)
      %dma_start3A_21 = arith.constant 0 : i32
      %dma_start3A_22 = arith.constant 0 : i32
      %dma_start3A_23 = tpu.memref_slice %arg13[%dma_start3A_21, %dma_start3A_22] : memref<1280x64xf32, #tpu.memory_space<vmem>> -> memref<128x64xf32, #tpu.memory_space<vmem>>
      %dma_start3A_24 = arith.constant 0 : i32
      %dma_start3A_25 = tpu.memref_slice %arg10[%dma_start3A_24] : memref<1280xi32, #tpu.memory_space<vmem>> -> memref<128xi32, #tpu.memory_space<vmem>>
      %dma_start3A_26 = arith.constant 0 : i32
      %dma_start3A_27 = arith.constant 0 : i32
      %dma_start3A_28 = tpu.memref_slice %arg6[%dma_start3A_26, %dma_start3A_27] : memref<1000000x64xf32, #tpu.memory_space<hbm>> -> memref<1000000x64xf32, #tpu.memory_space<hbm>>
      tpu.enqueue_indirect_dma source(%dma_start3A_28 : memref<1000000x64xf32, #tpu.memory_space<hbm>>) target(%dma_start3A_23 : memref<128x64xf32, #tpu.memory_space<vmem>>) offsets(%dma_start3A_25 : memref<128xi32, #tpu.memory_space<vmem>>) semaphore(%arg15 : memref<!tpu.dma_semaphore, #tpu.memory_space<semaphore_mem>>)
      %dma_start3A_29 = arith.constant 128 : i32
      %dma_start3A_30 = arith.constant 0 : i32
      %dma_start3A_31 = tpu.memref_slice %arg13[%dma_start3A_29, %dma_start3A_30] : memref<1280x64xf32, #tpu.memory_space<vmem>> -> memref<128x64xf32, #tpu.memory_space<vmem>>
      %dma_start3A_32 = arith.constant 128 : i32
      %dma_start3A_33 = tpu.memref_slice %arg10[%dma_start3A_32] : memref<1280xi32, #tpu.memory_space<vmem>> -> memref<128xi32, #tpu.memory_space<vmem>>
      %dma_start3A_34 = arith.constant 0 : i32
      %dma_start3A_35 = arith.constant 0 : i32
      %dma_start3A_36 = tpu.memref_slice %arg6[%dma_start3A_34, %dma_start3A_35] : memref<1000000x64xf32, #tpu.memory_space<hbm>> -> memref<1000000x64xf32, #tpu.memory_space<hbm>>
      tpu.enqueue_indirect_dma source(%dma_start3A_36 : memref<1000000x64xf32, #tpu.memory_space<hbm>>) target(%dma_start3A_31 : memref<128x64xf32, #tpu.memory_space<vmem>>) offsets(%dma_start3A_33 : memref<128xi32, #tpu.memory_space<vmem>>) semaphore(%arg15 : memref<!tpu.dma_semaphore, #tpu.memory_space<semaphore_mem>>)
      %dma_start3A_37 = arith.constant 256 : i32
      %dma_start3A_38 = arith.constant 0 : i32
      %dma_start3A_39 = tpu.memref_slice %arg13[%dma_start3A_37, %dma_start3A_38] : memref<1280x64xf32, #tpu.memory_space<vmem>> -> memref<128x64xf32, #tpu.memory_space<vmem>>
      %dma_start3A_40 = arith.constant 256 : i32
      %dma_start3A_41 = tpu.memref_slice %arg10[%dma_start3A_40] : memref<1280xi32, #tpu.memory_space<vmem>> -> memref<128xi32, #tpu.memory_space<vmem>>
      %dma_start3A_42 = arith.constant 0 : i32
      %dma_start3A_43 = arith.constant 0 : i32
      %dma_start3A_44 = tpu.memref_slice %arg6[%dma_start3A_42, %dma_start3A_43] : memref<1000000x64xf32, #tpu.memory_space<hbm>> -> memref<1000000x64xf32, #tpu.memory_space<hbm>>
      tpu.enqueue_indirect_dma source(%dma_start3A_44 : memref<1000000x64xf32, #tpu.memory_space<hbm>>) target(%dma_start3A_39 : memref<128x64xf32, #tpu.memory_space<vmem>>) offsets(%dma_start3A_41 : memref<128xi32, #tpu.memory_space<vmem>>) semaphore(%arg15 : memref<!tpu.dma_semaphore, #tpu.memory_space<semaphore_mem>>)
      %dma_start3A_45 = arith.constant 384 : i32
      %dma_start3A_46 = arith.constant 0 : i32
      %dma_start3A_47 = tpu.memref_slice %arg13[%dma_start3A_45, %dma_start3A_46] : memref<1280x64xf32, #tpu.memory_space<vmem>> -> memref<128x64xf32, #tpu.memory_space<vmem>>
      %dma_start3A_48 = arith.constant 384 : i32
      %dma_start3A_49 = tpu.memref_slice %arg10[%dma_start3A_48] : memref<1280xi32, #tpu.memory_space<vmem>> -> memref<128xi32, #tpu.memory_space<vmem>>
      %dma_start3A_50 = arith.constant 0 : i32
      %dma_start3A_51 = arith.constant 0 : i32
      %dma_start3A_52 = tpu.memref_slice %arg6[%dma_start3A_50, %dma_start3A_51] : memref<1000000x64xf32, #tpu.memory_space<hbm>> -> memref<1000000x64xf32, #tpu.memory_space<hbm>>
      tpu.enqueue_indirect_dma source(%dma_start3A_52 : memref<1000000x64xf32, #tpu.memory_space<hbm>>) target(%dma_start3A_47 : memref<128x64xf32, #tpu.memory_space<vmem>>) offsets(%dma_start3A_49 : memref<128xi32, #tpu.memory_space<vmem>>) semaphore(%arg15 : memref<!tpu.dma_semaphore, #tpu.memory_space<semaphore_mem>>)
      %dma_start3A_53 = arith.constant 512 : i32
      %dma_start3A_54 = arith.constant 0 : i32
      %dma_start3A_55 = tpu.memref_slice %arg13[%dma_start3A_53, %dma_start3A_54] : memref<1280x64xf32, #tpu.memory_space<vmem>> -> memref<128x64xf32, #tpu.memory_space<vmem>>
      %dma_start3A_56 = arith.constant 512 : i32
      %dma_start3A_57 = tpu.memref_slice %arg10[%dma_start3A_56] : memref<1280xi32, #tpu.memory_space<vmem>> -> memref<128xi32, #tpu.memory_space<vmem>>
      %dma_start3A_58 = arith.constant 0 : i32
      %dma_start3A_59 = arith.constant 0 : i32
      %dma_start3A_60 = tpu.memref_slice %arg6[%dma_start3A_58, %dma_start3A_59] : memref<1000000x64xf32, #tpu.memory_space<hbm>> -> memref<1000000x64xf32, #tpu.memory_space<hbm>>
      tpu.enqueue_indirect_dma source(%dma_start3A_60 : memref<1000000x64xf32, #tpu.memory_space<hbm>>) target(%dma_start3A_55 : memref<128x64xf32, #tpu.memory_space<vmem>>) offsets(%dma_start3A_57 : memref<128xi32, #tpu.memory_space<vmem>>) semaphore(%arg15 : memref<!tpu.dma_semaphore, #tpu.memory_space<semaphore_mem>>)
      %dma_start3A_61 = arith.constant 640 : i32
      %dma_start3A_62 = arith.constant 0 : i32
      %dma_start3A_63 = tpu.memref_slice %arg13[%dma_start3A_61, %dma_start3A_62] : memref<1280x64xf32, #tpu.memory_space<vmem>> -> memref<128x64xf32, #tpu.memory_space<vmem>>
      %dma_start3A_64 = arith.constant 640 : i32
      %dma_start3A_65 = tpu.memref_slice %arg10[%dma_start3A_64] : memref<1280xi32, #tpu.memory_space<vmem>> -> memref<128xi32, #tpu.memory_space<vmem>>
      %dma_start3A_66 = arith.constant 0 : i32
      %dma_start3A_67 = arith.constant 0 : i32
      %dma_start3A_68 = tpu.memref_slice %arg6[%dma_start3A_66, %dma_start3A_67] : memref<1000000x64xf32, #tpu.memory_space<hbm>> -> memref<1000000x64xf32, #tpu.memory_space<hbm>>
      tpu.enqueue_indirect_dma source(%dma_start3A_68 : memref<1000000x64xf32, #tpu.memory_space<hbm>>) target(%dma_start3A_63 : memref<128x64xf32, #tpu.memory_space<vmem>>) offsets(%dma_start3A_65 : memref<128xi32, #tpu.memory_space<vmem>>) semaphore(%arg15 : memref<!tpu.dma_semaphore, #tpu.memory_space<semaphore_mem>>)
      %dma_start3A_69 = arith.constant 768 : i32
      %dma_start3A_70 = arith.constant 0 : i32
      %dma_start3A_71 = tpu.memref_slice %arg13[%dma_start3A_69, %dma_start3A_70] : memref<1280x64xf32, #tpu.memory_space<vmem>> -> memref<128x64xf32, #tpu.memory_space<vmem>>
      %dma_start3A_72 = arith.constant 768 : i32
      %dma_start3A_73 = tpu.memref_slice %arg10[%dma_start3A_72] : memref<1280xi32, #tpu.memory_space<vmem>> -> memref<128xi32, #tpu.memory_space<vmem>>
      %dma_start3A_74 = arith.constant 0 : i32
      %dma_start3A_75 = arith.constant 0 : i32
      %dma_start3A_76 = tpu.memref_slice %arg6[%dma_start3A_74, %dma_start3A_75] : memref<1000000x64xf32, #tpu.memory_space<hbm>> -> memref<1000000x64xf32, #tpu.memory_space<hbm>>
      tpu.enqueue_indirect_dma source(%dma_start3A_76 : memref<1000000x64xf32, #tpu.memory_space<hbm>>) target(%dma_start3A_71 : memref<128x64xf32, #tpu.memory_space<vmem>>) offsets(%dma_start3A_73 : memref<128xi32, #tpu.memory_space<vmem>>) semaphore(%arg15 : memref<!tpu.dma_semaphore, #tpu.memory_space<semaphore_mem>>)
      %dma_start3A_77 = arith.constant 896 : i32
      %dma_start3A_78 = arith.constant 0 : i32
      %dma_start3A_79 = tpu.memref_slice %arg13[%dma_start3A_77, %dma_start3A_78] : memref<1280x64xf32, #tpu.memory_space<vmem>> -> memref<128x64xf32, #tpu.memory_space<vmem>>
      %dma_start3A_80 = arith.constant 896 : i32
      %dma_start3A_81 = tpu.memref_slice %arg10[%dma_start3A_80] : memref<1280xi32, #tpu.memory_space<vmem>> -> memref<128xi32, #tpu.memory_space<vmem>>
      %dma_start3A_82 = arith.constant 0 : i32
      %dma_start3A_83 = arith.constant 0 : i32
      %dma_start3A_84 = tpu.memref_slice %arg6[%dma_start3A_82, %dma_start3A_83] : memref<1000000x64xf32, #tpu.memory_space<hbm>> -> memref<1000000x64xf32, #tpu.memory_space<hbm>>
      tpu.enqueue_indirect_dma source(%dma_start3A_84 : memref<1000000x64xf32, #tpu.memory_space<hbm>>) target(%dma_start3A_79 : memref<128x64xf32, #tpu.memory_space<vmem>>) offsets(%dma_start3A_81 : memref<128xi32, #tpu.memory_space<vmem>>) semaphore(%arg15 : memref<!tpu.dma_semaphore, #tpu.memory_space<semaphore_mem>>)
      %dma_start3A_85 = arith.constant 1024 : i32
      %dma_start3A_86 = arith.constant 0 : i32
      %dma_start3A_87 = tpu.memref_slice %arg13[%dma_start3A_85, %dma_start3A_86] : memref<1280x64xf32, #tpu.memory_space<vmem>> -> memref<128x64xf32, #tpu.memory_space<vmem>>
      %dma_start3A_88 = arith.constant 1024 : i32
      %dma_start3A_89 = tpu.memref_slice %arg10[%dma_start3A_88] : memref<1280xi32, #tpu.memory_space<vmem>> -> memref<128xi32, #tpu.memory_space<vmem>>
      %dma_start3A_90 = arith.constant 0 : i32
      %dma_start3A_91 = arith.constant 0 : i32
      %dma_start3A_92 = tpu.memref_slice %arg6[%dma_start3A_90, %dma_start3A_91] : memref<1000000x64xf32, #tpu.memory_space<hbm>> -> memref<1000000x64xf32, #tpu.memory_space<hbm>>
      tpu.enqueue_indirect_dma source(%dma_start3A_92 : memref<1000000x64xf32, #tpu.memory_space<hbm>>) target(%dma_start3A_87 : memref<128x64xf32, #tpu.memory_space<vmem>>) offsets(%dma_start3A_89 : memref<128xi32, #tpu.memory_space<vmem>>) semaphore(%arg15 : memref<!tpu.dma_semaphore, #tpu.memory_space<semaphore_mem>>)
      %dma_start3A_93 = arith.constant 1152 : i32
      %dma_start3A_94 = arith.constant 0 : i32
      %dma_start3A_95 = tpu.memref_slice %arg13[%dma_start3A_93, %dma_start3A_94] : memref<1280x64xf32, #tpu.memory_space<vmem>> -> memref<128x64xf32, #tpu.memory_space<vmem>>
      %dma_start3A_96 = arith.constant 1152 : i32
      %dma_start3A_97 = tpu.memref_slice %arg10[%dma_start3A_96] : memref<1280xi32, #tpu.memory_space<vmem>> -> memref<128xi32, #tpu.memory_space<vmem>>
      %dma_start3A_98 = arith.constant 0 : i32
      %dma_start3A_99 = arith.constant 0 : i32
      %dma_start3A_100 = tpu.memref_slice %arg6[%dma_start3A_98, %dma_start3A_99] : memref<1000000x64xf32, #tpu.memory_space<hbm>> -> memref<1000000x64xf32, #tpu.memory_space<hbm>>
      tpu.enqueue_indirect_dma source(%dma_start3A_100 : memref<1000000x64xf32, #tpu.memory_space<hbm>>) target(%dma_start3A_95 : memref<128x64xf32, #tpu.memory_space<vmem>>) offsets(%dma_start3A_97 : memref<128xi32, #tpu.memory_space<vmem>>) semaphore(%arg15 : memref<!tpu.dma_semaphore, #tpu.memory_space<semaphore_mem>>)
      %dma_wait3A = arith.constant 0 : i32
      %dma_wait3A_101 = arith.constant 0 : i32
      %dma_wait3A_102 = tpu.memref_slice %arg5[%dma_wait3A, %dma_wait3A_101] : memref<1000000x64xf32, #tpu.memory_space<hbm>> -> memref<1000000x64xf32, #tpu.memory_space<hbm>>
      tpu.wait_indirect_dma semaphore(%arg15 : memref<!tpu.dma_semaphore, #tpu.memory_space<semaphore_mem>>) src(%dma_wait3A_102 : memref<1000000x64xf32, #tpu.memory_space<hbm>>) dst(%arg11 : memref<64x64xf32, #tpu.memory_space<vmem>>)
      %dma_wait3A_103 = arith.constant 0 : i32
      %dma_wait3A_104 = arith.constant 0 : i32
      %dma_wait3A_105 = tpu.memref_slice %arg6[%dma_wait3A_103, %dma_wait3A_104] : memref<1000000x64xf32, #tpu.memory_space<hbm>> -> memref<1000000x64xf32, #tpu.memory_space<hbm>>
      tpu.wait_indirect_dma semaphore(%arg15 : memref<!tpu.dma_semaphore, #tpu.memory_space<semaphore_mem>>) src(%dma_wait3A_105 : memref<1000000x64xf32, #tpu.memory_space<hbm>>) dst(%arg12 : memref<64x64xf32, #tpu.memory_space<vmem>>)
      %dma_wait3A_106 = arith.constant 0 : i32
      %dma_wait3A_107 = arith.constant 0 : i32
      %dma_wait3A_108 = tpu.memref_slice %arg13[%dma_wait3A_106, %dma_wait3A_107] : memref<1280x64xf32, #tpu.memory_space<vmem>> -> memref<128x64xf32, #tpu.memory_space<vmem>>
      %dma_wait3A_109 = arith.constant 0 : i32
      %dma_wait3A_110 = tpu.memref_slice %arg10[%dma_wait3A_109] : memref<1280xi32, #tpu.memory_space<vmem>> -> memref<128xi32, #tpu.memory_space<vmem>>
      %dma_wait3A_111 = arith.constant 0 : i32
      %dma_wait3A_112 = arith.constant 0 : i32
      %dma_wait3A_113 = tpu.memref_slice %arg6[%dma_wait3A_111, %dma_wait3A_112] : memref<1000000x64xf32, #tpu.memory_space<hbm>> -> memref<1000000x64xf32, #tpu.memory_space<hbm>>
      tpu.wait_indirect_dma semaphore(%arg15 : memref<!tpu.dma_semaphore, #tpu.memory_space<semaphore_mem>>) src(%dma_wait3A_113 : memref<1000000x64xf32, #tpu.memory_space<hbm>>) dst(%dma_wait3A_108 : memref<128x64xf32, #tpu.memory_space<vmem>>)
      %dma_wait3A_114 = arith.constant 128 : i32
      %dma_wait3A_115 = arith.constant 0 : i32
      %dma_wait3A_116 = tpu.memref_slice %arg13[%dma_wait3A_114, %dma_wait3A_115] : memref<1280x64xf32, #tpu.memory_space<vmem>> -> memref<128x64xf32, #tpu.memory_space<vmem>>
      %dma_wait3A_117 = arith.constant 128 : i32
      %dma_wait3A_118 = tpu.memref_slice %arg10[%dma_wait3A_117] : memref<1280xi32, #tpu.memory_space<vmem>> -> memref<128xi32, #tpu.memory_space<vmem>>
      %dma_wait3A_119 = arith.constant 0 : i32
      %dma_wait3A_120 = arith.constant 0 : i32
      %dma_wait3A_121 = tpu.memref_slice %arg6[%dma_wait3A_119, %dma_wait3A_120] : memref<1000000x64xf32, #tpu.memory_space<hbm>> -> memref<1000000x64xf32, #tpu.memory_space<hbm>>
      tpu.wait_indirect_dma semaphore(%arg15 : memref<!tpu.dma_semaphore, #tpu.memory_space<semaphore_mem>>) src(%dma_wait3A_121 : memref<1000000x64xf32, #tpu.memory_space<hbm>>) dst(%dma_wait3A_116 : memref<128x64xf32, #tpu.memory_space<vmem>>)
      %dma_wait3A_122 = arith.constant 256 : i32
      %dma_wait3A_123 = arith.constant 0 : i32
      %dma_wait3A_124 = tpu.memref_slice %arg13[%dma_wait3A_122, %dma_wait3A_123] : memref<1280x64xf32, #tpu.memory_space<vmem>> -> memref<128x64xf32, #tpu.memory_space<vmem>>
      %dma_wait3A_125 = arith.constant 256 : i32
      %dma_wait3A_126 = tpu.memref_slice %arg10[%dma_wait3A_125] : memref<1280xi32, #tpu.memory_space<vmem>> -> memref<128xi32, #tpu.memory_space<vmem>>
      %dma_wait3A_127 = arith.constant 0 : i32
      %dma_wait3A_128 = arith.constant 0 : i32
      %dma_wait3A_129 = tpu.memref_slice %arg6[%dma_wait3A_127, %dma_wait3A_128] : memref<1000000x64xf32, #tpu.memory_space<hbm>> -> memref<1000000x64xf32, #tpu.memory_space<hbm>>
      tpu.wait_indirect_dma semaphore(%arg15 : memref<!tpu.dma_semaphore, #tpu.memory_space<semaphore_mem>>) src(%dma_wait3A_129 : memref<1000000x64xf32, #tpu.memory_space<hbm>>) dst(%dma_wait3A_124 : memref<128x64xf32, #tpu.memory_space<vmem>>)
      %dma_wait3A_130 = arith.constant 384 : i32
      %dma_wait3A_131 = arith.constant 0 : i32
      %dma_wait3A_132 = tpu.memref_slice %arg13[%dma_wait3A_130, %dma_wait3A_131] : memref<1280x64xf32, #tpu.memory_space<vmem>> -> memref<128x64xf32, #tpu.memory_space<vmem>>
      %dma_wait3A_133 = arith.constant 384 : i32
      %dma_wait3A_134 = tpu.memref_slice %arg10[%dma_wait3A_133] : memref<1280xi32, #tpu.memory_space<vmem>> -> memref<128xi32, #tpu.memory_space<vmem>>
      %dma_wait3A_135 = arith.constant 0 : i32
      %dma_wait3A_136 = arith.constant 0 : i32
      %dma_wait3A_137 = tpu.memref_slice %arg6[%dma_wait3A_135, %dma_wait3A_136] : memref<1000000x64xf32, #tpu.memory_space<hbm>> -> memref<1000000x64xf32, #tpu.memory_space<hbm>>
      tpu.wait_indirect_dma semaphore(%arg15 : memref<!tpu.dma_semaphore, #tpu.memory_space<semaphore_mem>>) src(%dma_wait3A_137 : memref<1000000x64xf32, #tpu.memory_space<hbm>>) dst(%dma_wait3A_132 : memref<128x64xf32, #tpu.memory_space<vmem>>)
      %dma_wait3A_138 = arith.constant 512 : i32
      %dma_wait3A_139 = arith.constant 0 : i32
      %dma_wait3A_140 = tpu.memref_slice %arg13[%dma_wait3A_138, %dma_wait3A_139] : memref<1280x64xf32, #tpu.memory_space<vmem>> -> memref<128x64xf32, #tpu.memory_space<vmem>>
      %dma_wait3A_141 = arith.constant 512 : i32
      %dma_wait3A_142 = tpu.memref_slice %arg10[%dma_wait3A_141] : memref<1280xi32, #tpu.memory_space<vmem>> -> memref<128xi32, #tpu.memory_space<vmem>>
      %dma_wait3A_143 = arith.constant 0 : i32
      %dma_wait3A_144 = arith.constant 0 : i32
      %dma_wait3A_145 = tpu.memref_slice %arg6[%dma_wait3A_143, %dma_wait3A_144] : memref<1000000x64xf32, #tpu.memory_space<hbm>> -> memref<1000000x64xf32, #tpu.memory_space<hbm>>
      tpu.wait_indirect_dma semaphore(%arg15 : memref<!tpu.dma_semaphore, #tpu.memory_space<semaphore_mem>>) src(%dma_wait3A_145 : memref<1000000x64xf32, #tpu.memory_space<hbm>>) dst(%dma_wait3A_140 : memref<128x64xf32, #tpu.memory_space<vmem>>)
      %dma_wait3A_146 = arith.constant 640 : i32
      %dma_wait3A_147 = arith.constant 0 : i32
      %dma_wait3A_148 = tpu.memref_slice %arg13[%dma_wait3A_146, %dma_wait3A_147] : memref<1280x64xf32, #tpu.memory_space<vmem>> -> memref<128x64xf32, #tpu.memory_space<vmem>>
      %dma_wait3A_149 = arith.constant 640 : i32
      %dma_wait3A_150 = tpu.memref_slice %arg10[%dma_wait3A_149] : memref<1280xi32, #tpu.memory_space<vmem>> -> memref<128xi32, #tpu.memory_space<vmem>>
      %dma_wait3A_151 = arith.constant 0 : i32
      %dma_wait3A_152 = arith.constant 0 : i32
      %dma_wait3A_153 = tpu.memref_slice %arg6[%dma_wait3A_151, %dma_wait3A_152] : memref<1000000x64xf32, #tpu.memory_space<hbm>> -> memref<1000000x64xf32, #tpu.memory_space<hbm>>
      tpu.wait_indirect_dma semaphore(%arg15 : memref<!tpu.dma_semaphore, #tpu.memory_space<semaphore_mem>>) src(%dma_wait3A_153 : memref<1000000x64xf32, #tpu.memory_space<hbm>>) dst(%dma_wait3A_148 : memref<128x64xf32, #tpu.memory_space<vmem>>)
      %dma_wait3A_154 = arith.constant 768 : i32
      %dma_wait3A_155 = arith.constant 0 : i32
      %dma_wait3A_156 = tpu.memref_slice %arg13[%dma_wait3A_154, %dma_wait3A_155] : memref<1280x64xf32, #tpu.memory_space<vmem>> -> memref<128x64xf32, #tpu.memory_space<vmem>>
      %dma_wait3A_157 = arith.constant 768 : i32
      %dma_wait3A_158 = tpu.memref_slice %arg10[%dma_wait3A_157] : memref<1280xi32, #tpu.memory_space<vmem>> -> memref<128xi32, #tpu.memory_space<vmem>>
      %dma_wait3A_159 = arith.constant 0 : i32
      %dma_wait3A_160 = arith.constant 0 : i32
      %dma_wait3A_161 = tpu.memref_slice %arg6[%dma_wait3A_159, %dma_wait3A_160] : memref<1000000x64xf32, #tpu.memory_space<hbm>> -> memref<1000000x64xf32, #tpu.memory_space<hbm>>
      tpu.wait_indirect_dma semaphore(%arg15 : memref<!tpu.dma_semaphore, #tpu.memory_space<semaphore_mem>>) src(%dma_wait3A_161 : memref<1000000x64xf32, #tpu.memory_space<hbm>>) dst(%dma_wait3A_156 : memref<128x64xf32, #tpu.memory_space<vmem>>)
      %dma_wait3A_162 = arith.constant 896 : i32
      %dma_wait3A_163 = arith.constant 0 : i32
      %dma_wait3A_164 = tpu.memref_slice %arg13[%dma_wait3A_162, %dma_wait3A_163] : memref<1280x64xf32, #tpu.memory_space<vmem>> -> memref<128x64xf32, #tpu.memory_space<vmem>>
      %dma_wait3A_165 = arith.constant 896 : i32
      %dma_wait3A_166 = tpu.memref_slice %arg10[%dma_wait3A_165] : memref<1280xi32, #tpu.memory_space<vmem>> -> memref<128xi32, #tpu.memory_space<vmem>>
      %dma_wait3A_167 = arith.constant 0 : i32
      %dma_wait3A_168 = arith.constant 0 : i32
      %dma_wait3A_169 = tpu.memref_slice %arg6[%dma_wait3A_167, %dma_wait3A_168] : memref<1000000x64xf32, #tpu.memory_space<hbm>> -> memref<1000000x64xf32, #tpu.memory_space<hbm>>
      tpu.wait_indirect_dma semaphore(%arg15 : memref<!tpu.dma_semaphore, #tpu.memory_space<semaphore_mem>>) src(%dma_wait3A_169 : memref<1000000x64xf32, #tpu.memory_space<hbm>>) dst(%dma_wait3A_164 : memref<128x64xf32, #tpu.memory_space<vmem>>)
      %dma_wait3A_170 = arith.constant 1024 : i32
      %dma_wait3A_171 = arith.constant 0 : i32
      %dma_wait3A_172 = tpu.memref_slice %arg13[%dma_wait3A_170, %dma_wait3A_171] : memref<1280x64xf32, #tpu.memory_space<vmem>> -> memref<128x64xf32, #tpu.memory_space<vmem>>
      %dma_wait3A_173 = arith.constant 1024 : i32
      %dma_wait3A_174 = tpu.memref_slice %arg10[%dma_wait3A_173] : memref<1280xi32, #tpu.memory_space<vmem>> -> memref<128xi32, #tpu.memory_space<vmem>>
      %dma_wait3A_175 = arith.constant 0 : i32
      %dma_wait3A_176 = arith.constant 0 : i32
      %dma_wait3A_177 = tpu.memref_slice %arg6[%dma_wait3A_175, %dma_wait3A_176] : memref<1000000x64xf32, #tpu.memory_space<hbm>> -> memref<1000000x64xf32, #tpu.memory_space<hbm>>
      tpu.wait_indirect_dma semaphore(%arg15 : memref<!tpu.dma_semaphore, #tpu.memory_space<semaphore_mem>>) src(%dma_wait3A_177 : memref<1000000x64xf32, #tpu.memory_space<hbm>>) dst(%dma_wait3A_172 : memref<128x64xf32, #tpu.memory_space<vmem>>)
      %dma_wait3A_178 = arith.constant 1152 : i32
      %dma_wait3A_179 = arith.constant 0 : i32
      %dma_wait3A_180 = tpu.memref_slice %arg13[%dma_wait3A_178, %dma_wait3A_179] : memref<1280x64xf32, #tpu.memory_space<vmem>> -> memref<128x64xf32, #tpu.memory_space<vmem>>
      %dma_wait3A_181 = arith.constant 1152 : i32
      %dma_wait3A_182 = tpu.memref_slice %arg10[%dma_wait3A_181] : memref<1280xi32, #tpu.memory_space<vmem>> -> memref<128xi32, #tpu.memory_space<vmem>>
      %dma_wait3A_183 = arith.constant 0 : i32
      %dma_wait3A_184 = arith.constant 0 : i32
      %dma_wait3A_185 = tpu.memref_slice %arg6[%dma_wait3A_183, %dma_wait3A_184] : memref<1000000x64xf32, #tpu.memory_space<hbm>> -> memref<1000000x64xf32, #tpu.memory_space<hbm>>
      tpu.wait_indirect_dma semaphore(%arg15 : memref<!tpu.dma_semaphore, #tpu.memory_space<semaphore_mem>>) src(%dma_wait3A_185 : memref<1000000x64xf32, #tpu.memory_space<hbm>>) dst(%dma_wait3A_180 : memref<128x64xf32, #tpu.memory_space<vmem>>)
      %scan3A_186 = arith.constant 0 : i32
      %scan3A_187 = arith.constant 0 : i32
      %scan3A_188 = arith.constant 64 : i32
      %scan3A_189 = arith.addi %scan3A_187, %scan3A_188 : i32
      %scan3A_190 = arith.constant 1 : i32
      scf.for %scan3A_194 = %scan3A_187 to %scan3A_189 step %scan3A_190  : i32 {
        %get3A = arith.index_cast %scan3A_194 : i32 to index
        %get3A_195 = arith.constant 0 : index
        %get3A_196 = tpu.vector_load %arg11[%get3A, %get3A_195] {strides = array<i32>} : memref<64x64xf32, #tpu.memory_space<vmem>>, vector<16xf32>,
        %get3A_197 = arith.index_cast %scan3A_194 : i32 to index
        %get3A_198 = arith.constant 16 : index
        %get3A_199 = tpu.vector_load %arg11[%get3A_197, %get3A_198] {strides = array<i32>} : memref<64x64xf32, #tpu.memory_space<vmem>>, vector<16xf32>,
        %get3A_200 = arith.index_cast %scan3A_194 : i32 to index
        %get3A_201 = arith.constant 32 : index
        %get3A_202 = tpu.vector_load %arg11[%get3A_200, %get3A_201] {strides = array<i32>} : memref<64x64xf32, #tpu.memory_space<vmem>>, vector<16xf32>,
        %get3A_203 = arith.index_cast %scan3A_194 : i32 to index
        %get3A_204 = arith.constant 48 : index
        %get3A_205 = tpu.vector_load %arg11[%get3A_203, %get3A_204] {strides = array<i32>} : memref<64x64xf32, #tpu.memory_space<vmem>>, vector<16xf32>,
        %get3A_206 = arith.index_cast %scan3A_194 : i32 to index
        %get3A_207 = arith.constant 0 : index
        %get3A_208 = tpu.vector_load %arg12[%get3A_206, %get3A_207] {strides = array<i32>} : memref<64x64xf32, #tpu.memory_space<vmem>>, vector<16xf32>,
        %mul3A_209 = arith.mulf %get3A_208, %get3A_196 : vector<16xf32>
        %get3A_210 = arith.index_cast %scan3A_194 : i32 to index
        %get3A_211 = arith.constant 16 : index
        %get3A_212 = tpu.vector_load %arg12[%get3A_210, %get3A_211] {strides = array<i32>} : memref<64x64xf32, #tpu.memory_space<vmem>>, vector<16xf32>,
        %mul3A_213 = arith.mulf %get3A_212, %get3A_199 : vector<16xf32>
        %add3A_214 = arith.addf %mul3A_209, %mul3A_213 : vector<16xf32>
        %get3A_215 = arith.index_cast %scan3A_194 : i32 to index
        %get3A_216 = arith.constant 32 : index
        %get3A_217 = tpu.vector_load %arg12[%get3A_215, %get3A_216] {strides = array<i32>} : memref<64x64xf32, #tpu.memory_space<vmem>>, vector<16xf32>,
        %mul3A_218 = arith.mulf %get3A_217, %get3A_202 : vector<16xf32>
        %add3A_219 = arith.addf %add3A_214, %mul3A_218 : vector<16xf32>
        %get3A_220 = arith.index_cast %scan3A_194 : i32 to index
        %get3A_221 = arith.constant 48 : index
        %get3A_222 = tpu.vector_load %arg12[%get3A_220, %get3A_221] {strides = array<i32>} : memref<64x64xf32, #tpu.memory_space<vmem>>, vector<16xf32>,
        %mul3A_223 = arith.mulf %get3A_222, %get3A_205 : vector<16xf32>
        %add3A_224 = arith.addf %add3A_219, %mul3A_223 : vector<16xf32>
        %reduce_sum3A = arith.constant true
        %reduce_sum3A_225 = vector.broadcast %reduce_sum3A : i1 to vector<16xi1>
        %reduce_sum3A_226 = tpu.scan <sum>, %add3A_224 masked %reduce_sum3A_225 : vector<16xf32>, vector<16xi1> -> vector<16xf32>
        %reduce_sum3A_227 = vector.extract %reduce_sum3A_226[15] : f32 from vector<16xf32>
        %neg3A = arith.constant 0.000000e+00 : f32
        %neg3A_228 = arith.subf %neg3A, %reduce_sum3A_227 : f32
        %mul3A_229 = arith.constant 21 : i32
        %mul3A_230 = arith.muli %scan3A_194, %mul3A_229 : i32
        %broadcast_in_dim3A = vector.broadcast %mul3A_230 : i32 to vector<16xi32>
        %broadcast_in_dim3A_231 = vector.broadcast %neg3A_228 : f32 to vector<16xf32>
        tpu.vector_store_idx %arg14[%broadcast_in_dim3A], %broadcast_in_dim3A_231 masked %lt3A_2 : memref<1344xf32, #tpu.memory_space<vmem>>[vector<16xi32>], vector<16xf32>, vector<16xi1>
        %scan3A_232 = arith.constant 0 : i32
        %scan3A_233 = arith.constant 0 : i32
        %scan3A_234 = arith.constant 20 : i32
        %scan3A_235 = arith.addi %scan3A_233, %scan3A_234 : i32
        %scan3A_236 = arith.constant 5 : i32
        scf.for %scan3A_238 = %scan3A_233 to %scan3A_235 step %scan3A_236  : i32 {
          %mul3A_239 = arith.constant 20 : i32
          %mul3A_240 = arith.muli %scan3A_194, %mul3A_239 : i32
          %add3A_241 = arith.addi %mul3A_240, %scan3A_238 : i32
          %get3A_242 = arith.index_cast %add3A_241 : i32 to index
          %get3A_243 = arith.constant 0 : index
          %get3A_244 = tpu.vector_load %arg13[%get3A_242, %get3A_243] {strides = array<i32>} : memref<1280x64xf32, #tpu.memory_space<vmem>>, vector<16xf32>,
          %mul3A_245 = arith.mulf %get3A_244, %get3A_196 : vector<16xf32>
          %get3A_246 = arith.index_cast %add3A_241 : i32 to index
          %get3A_247 = arith.constant 16 : index
          %get3A_248 = tpu.vector_load %arg13[%get3A_246, %get3A_247] {strides = array<i32>} : memref<1280x64xf32, #tpu.memory_space<vmem>>, vector<16xf32>,
          %mul3A_249 = arith.mulf %get3A_248, %get3A_199 : vector<16xf32>
          %add3A_250 = arith.addf %mul3A_245, %mul3A_249 : vector<16xf32>
          %get3A_251 = arith.index_cast %add3A_241 : i32 to index
          %get3A_252 = arith.constant 32 : index
          %get3A_253 = tpu.vector_load %arg13[%get3A_251, %get3A_252] {strides = array<i32>} : memref<1280x64xf32, #tpu.memory_space<vmem>>, vector<16xf32>,
          %mul3A_254 = arith.mulf %get3A_253, %get3A_202 : vector<16xf32>
          %add3A_255 = arith.addf %add3A_250, %mul3A_254 : vector<16xf32>
          %get3A_256 = arith.index_cast %add3A_241 : i32 to index
          %get3A_257 = arith.constant 48 : index
          %get3A_258 = tpu.vector_load %arg13[%get3A_256, %get3A_257] {strides = array<i32>} : memref<1280x64xf32, #tpu.memory_space<vmem>>, vector<16xf32>,
          %mul3A_259 = arith.mulf %get3A_258, %get3A_205 : vector<16xf32>
          %add3A_260 = arith.addf %add3A_255, %mul3A_259 : vector<16xf32>
          %reduce_sum3A_261 = arith.constant true
          %reduce_sum3A_262 = vector.broadcast %reduce_sum3A_261 : i1 to vector<16xi1>
          %reduce_sum3A_263 = tpu.scan <sum>, %add3A_260 masked %reduce_sum3A_262 : vector<16xf32>, vector<16xi1> -> vector<16xf32>
          %reduce_sum3A_264 = vector.extract %reduce_sum3A_263[15] : f32 from vector<16xf32>
          %mul3A_265 = arith.constant 21 : i32
          %mul3A_266 = arith.muli %scan3A_194, %mul3A_265 : i32
          %add3A_267 = arith.constant 1 : i32
          %add3A_268 = arith.addi %mul3A_266, %add3A_267 : i32
          %add3A_269 = arith.addi %add3A_268, %scan3A_238 : i32
          %broadcast_in_dim3A_270 = vector.broadcast %add3A_269 : i32 to vector<16xi32>
          %broadcast_in_dim3A_271 = vector.broadcast %reduce_sum3A_264 : f32 to vector<16xf32>
          tpu.vector_store_idx %arg14[%broadcast_in_dim3A_270], %broadcast_in_dim3A_271 masked %lt3A_2 : memref<1344xf32, #tpu.memory_space<vmem>>[vector<16xi32>], vector<16xf32>, vector<16xi1>
          %scan3A_272 = arith.constant 1 : i32
          %scan3A_273 = arith.addi %scan3A_238, %scan3A_272 : i32
          %mul3A_274 = arith.constant 20 : i32
          %mul3A_275 = arith.muli %scan3A_194, %mul3A_274 : i32
          %add3A_276 = arith.addi %mul3A_275, %scan3A_273 : i32
          %get3A_277 = arith.index_cast %add3A_276 : i32 to index
          %get3A_278 = arith.constant 0 : index
          %get3A_279 = tpu.vector_load %arg13[%get3A_277, %get3A_278] {strides = array<i32>} : memref<1280x64xf32, #tpu.memory_space<vmem>>, vector<16xf32>,
          %mul3A_280 = arith.mulf %get3A_279, %get3A_196 : vector<16xf32>
          %get3A_281 = arith.index_cast %add3A_276 : i32 to index
          %get3A_282 = arith.constant 16 : index
          %get3A_283 = tpu.vector_load %arg13[%get3A_281, %get3A_282] {strides = array<i32>} : memref<1280x64xf32, #tpu.memory_space<vmem>>, vector<16xf32>,
          %mul3A_284 = arith.mulf %get3A_283, %get3A_199 : vector<16xf32>
          %add3A_285 = arith.addf %mul3A_280, %mul3A_284 : vector<16xf32>
          %get3A_286 = arith.index_cast %add3A_276 : i32 to index
          %get3A_287 = arith.constant 32 : index
          %get3A_288 = tpu.vector_load %arg13[%get3A_286, %get3A_287] {strides = array<i32>} : memref<1280x64xf32, #tpu.memory_space<vmem>>, vector<16xf32>,
          %mul3A_289 = arith.mulf %get3A_288, %get3A_202 : vector<16xf32>
          %add3A_290 = arith.addf %add3A_285, %mul3A_289 : vector<16xf32>
          %get3A_291 = arith.index_cast %add3A_276 : i32 to index
          %get3A_292 = arith.constant 48 : index
          %get3A_293 = tpu.vector_load %arg13[%get3A_291, %get3A_292] {strides = array<i32>} : memref<1280x64xf32, #tpu.memory_space<vmem>>, vector<16xf32>,
          %mul3A_294 = arith.mulf %get3A_293, %get3A_205 : vector<16xf32>
          %add3A_295 = arith.addf %add3A_290, %mul3A_294 : vector<16xf32>
          %reduce_sum3A_296 = arith.constant true
          %reduce_sum3A_297 = vector.broadcast %reduce_sum3A_296 : i1 to vector<16xi1>
          %reduce_sum3A_298 = tpu.scan <sum>, %add3A_295 masked %reduce_sum3A_297 : vector<16xf32>, vector<16xi1> -> vector<16xf32>
          %reduce_sum3A_299 = vector.extract %reduce_sum3A_298[15] : f32 from vector<16xf32>
          %mul3A_300 = arith.constant 21 : i32
          %mul3A_301 = arith.muli %scan3A_194, %mul3A_300 : i32
          %add3A_302 = arith.constant 1 : i32
          %add3A_303 = arith.addi %mul3A_301, %add3A_302 : i32
          %add3A_304 = arith.addi %add3A_303, %scan3A_273 : i32
          %broadcast_in_dim3A_305 = vector.broadcast %add3A_304 : i32 to vector<16xi32>
          %broadcast_in_dim3A_306 = vector.broadcast %reduce_sum3A_299 : f32 to vector<16xf32>
          tpu.vector_store_idx %arg14[%broadcast_in_dim3A_305], %broadcast_in_dim3A_306 masked %lt3A_2 : memref<1344xf32, #tpu.memory_space<vmem>>[vector<16xi32>], vector<16xf32>, vector<16xi1>
          %scan3A_307 = arith.constant 2 : i32
          %scan3A_308 = arith.addi %scan3A_238, %scan3A_307 : i32
          %mul3A_309 = arith.constant 20 : i32
          %mul3A_310 = arith.muli %scan3A_194, %mul3A_309 : i32
          %add3A_311 = arith.addi %mul3A_310, %scan3A_308 : i32
          %get3A_312 = arith.index_cast %add3A_311 : i32 to index
          %get3A_313 = arith.constant 0 : index
          %get3A_314 = tpu.vector_load %arg13[%get3A_312, %get3A_313] {strides = array<i32>} : memref<1280x64xf32, #tpu.memory_space<vmem>>, vector<16xf32>,
          %mul3A_315 = arith.mulf %get3A_314, %get3A_196 : vector<16xf32>
          %get3A_316 = arith.index_cast %add3A_311 : i32 to index
          %get3A_317 = arith.constant 16 : index
          %get3A_318 = tpu.vector_load %arg13[%get3A_316, %get3A_317] {strides = array<i32>} : memref<1280x64xf32, #tpu.memory_space<vmem>>, vector<16xf32>,
          %mul3A_319 = arith.mulf %get3A_318, %get3A_199 : vector<16xf32>
          %add3A_320 = arith.addf %mul3A_315, %mul3A_319 : vector<16xf32>
          %get3A_321 = arith.index_cast %add3A_311 : i32 to index
          %get3A_322 = arith.constant 32 : index
          %get3A_323 = tpu.vector_load %arg13[%get3A_321, %get3A_322] {strides = array<i32>} : memref<1280x64xf32, #tpu.memory_space<vmem>>, vector<16xf32>,
          %mul3A_324 = arith.mulf %get3A_323, %get3A_202 : vector<16xf32>
          %add3A_325 = arith.addf %add3A_320, %mul3A_324 : vector<16xf32>
          %get3A_326 = arith.index_cast %add3A_311 : i32 to index
          %get3A_327 = arith.constant 48 : index
          %get3A_328 = tpu.vector_load %arg13[%get3A_326, %get3A_327] {strides = array<i32>} : memref<1280x64xf32, #tpu.memory_space<vmem>>, vector<16xf32>,
          %mul3A_329 = arith.mulf %get3A_328, %get3A_205 : vector<16xf32>
          %add3A_330 = arith.addf %add3A_325, %mul3A_329 : vector<16xf32>
          %reduce_sum3A_331 = arith.constant true
          %reduce_sum3A_332 = vector.broadcast %reduce_sum3A_331 : i1 to vector<16xi1>
          %reduce_sum3A_333 = tpu.scan <sum>, %add3A_330 masked %reduce_sum3A_332 : vector<16xf32>, vector<16xi1> -> vector<16xf32>
          %reduce_sum3A_334 = vector.extract %reduce_sum3A_333[15] : f32 from vector<16xf32>
          %mul3A_335 = arith.constant 21 : i32
          %mul3A_336 = arith.muli %scan3A_194, %mul3A_335 : i32
          %add3A_337 = arith.constant 1 : i32
          %add3A_338 = arith.addi %mul3A_336, %add3A_337 : i32
          %add3A_339 = arith.addi %add3A_338, %scan3A_308 : i32
          %broadcast_in_dim3A_340 = vector.broadcast %add3A_339 : i32 to vector<16xi32>
          %broadcast_in_dim3A_341 = vector.broadcast %reduce_sum3A_334 : f32 to vector<16xf32>
          tpu.vector_store_idx %arg14[%broadcast_in_dim3A_340], %broadcast_in_dim3A_341 masked %lt3A_2 : memref<1344xf32, #tpu.memory_space<vmem>>[vector<16xi32>], vector<16xf32>, vector<16xi1>
          %scan3A_342 = arith.constant 3 : i32
          %scan3A_343 = arith.addi %scan3A_238, %scan3A_342 : i32
          %mul3A_344 = arith.constant 20 : i32
          %mul3A_345 = arith.muli %scan3A_194, %mul3A_344 : i32
          %add3A_346 = arith.addi %mul3A_345, %scan3A_343 : i32
          %get3A_347 = arith.index_cast %add3A_346 : i32 to index
          %get3A_348 = arith.constant 0 : index
          %get3A_349 = tpu.vector_load %arg13[%get3A_347, %get3A_348] {strides = array<i32>} : memref<1280x64xf32, #tpu.memory_space<vmem>>, vector<16xf32>,
          %mul3A_350 = arith.mulf %get3A_349, %get3A_196 : vector<16xf32>
          %get3A_351 = arith.index_cast %add3A_346 : i32 to index
          %get3A_352 = arith.constant 16 : index
          %get3A_353 = tpu.vector_load %arg13[%get3A_351, %get3A_352] {strides = array<i32>} : memref<1280x64xf32, #tpu.memory_space<vmem>>, vector<16xf32>,
          %mul3A_354 = arith.mulf %get3A_353, %get3A_199 : vector<16xf32>
          %add3A_355 = arith.addf %mul3A_350, %mul3A_354 : vector<16xf32>
          %get3A_356 = arith.index_cast %add3A_346 : i32 to index
          %get3A_357 = arith.constant 32 : index
          %get3A_358 = tpu.vector_load %arg13[%get3A_356, %get3A_357] {strides = array<i32>} : memref<1280x64xf32, #tpu.memory_space<vmem>>, vector<16xf32>,
          %mul3A_359 = arith.mulf %get3A_358, %get3A_202 : vector<16xf32>
          %add3A_360 = arith.addf %add3A_355, %mul3A_359 : vector<16xf32>
          %get3A_361 = arith.index_cast %add3A_346 : i32 to index
          %get3A_362 = arith.constant 48 : index
          %get3A_363 = tpu.vector_load %arg13[%get3A_361, %get3A_362] {strides = array<i32>} : memref<1280x64xf32, #tpu.memory_space<vmem>>, vector<16xf32>,
          %mul3A_364 = arith.mulf %get3A_363, %get3A_205 : vector<16xf32>
          %add3A_365 = arith.addf %add3A_360, %mul3A_364 : vector<16xf32>
          %reduce_sum3A_366 = arith.constant true
          %reduce_sum3A_367 = vector.broadcast %reduce_sum3A_366 : i1 to vector<16xi1>
          %reduce_sum3A_368 = tpu.scan <sum>, %add3A_365 masked %reduce_sum3A_367 : vector<16xf32>, vector<16xi1> -> vector<16xf32>
          %reduce_sum3A_369 = vector.extract %reduce_sum3A_368[15] : f32 from vector<16xf32>
          %mul3A_370 = arith.constant 21 : i32
          %mul3A_371 = arith.muli %scan3A_194, %mul3A_370 : i32
          %add3A_372 = arith.constant 1 : i32
          %add3A_373 = arith.addi %mul3A_371, %add3A_372 : i32
          %add3A_374 = arith.addi %add3A_373, %scan3A_343 : i32
          %broadcast_in_dim3A_375 = vector.broadcast %add3A_374 : i32 to vector<16xi32>
          %broadcast_in_dim3A_376 = vector.broadcast %reduce_sum3A_369 : f32 to vector<16xf32>
          tpu.vector_store_idx %arg14[%broadcast_in_dim3A_375], %broadcast_in_dim3A_376 masked %lt3A_2 : memref<1344xf32, #tpu.memory_space<vmem>>[vector<16xi32>], vector<16xf32>, vector<16xi1>
          %scan3A_377 = arith.constant 4 : i32
          %scan3A_378 = arith.addi %scan3A_238, %scan3A_377 : i32
          %mul3A_379 = arith.constant 20 : i32
          %mul3A_380 = arith.muli %scan3A_194, %mul3A_379 : i32
          %add3A_381 = arith.addi %mul3A_380, %scan3A_378 : i32
          %get3A_382 = arith.index_cast %add3A_381 : i32 to index
          %get3A_383 = arith.constant 0 : index
          %get3A_384 = tpu.vector_load %arg13[%get3A_382, %get3A_383] {strides = array<i32>} : memref<1280x64xf32, #tpu.memory_space<vmem>>, vector<16xf32>,
          %mul3A_385 = arith.mulf %get3A_384, %get3A_196 : vector<16xf32>
          %get3A_386 = arith.index_cast %add3A_381 : i32 to index
          %get3A_387 = arith.constant 16 : index
          %get3A_388 = tpu.vector_load %arg13[%get3A_386, %get3A_387] {strides = array<i32>} : memref<1280x64xf32, #tpu.memory_space<vmem>>, vector<16xf32>,
          %mul3A_389 = arith.mulf %get3A_388, %get3A_199 : vector<16xf32>
          %add3A_390 = arith.addf %mul3A_385, %mul3A_389 : vector<16xf32>
          %get3A_391 = arith.index_cast %add3A_381 : i32 to index
          %get3A_392 = arith.constant 32 : index
          %get3A_393 = tpu.vector_load %arg13[%get3A_391, %get3A_392] {strides = array<i32>} : memref<1280x64xf32, #tpu.memory_space<vmem>>, vector<16xf32>,
          %mul3A_394 = arith.mulf %get3A_393, %get3A_202 : vector<16xf32>
          %add3A_395 = arith.addf %add3A_390, %mul3A_394 : vector<16xf32>
          %get3A_396 = arith.index_cast %add3A_381 : i32 to index
          %get3A_397 = arith.constant 48 : index
          %get3A_398 = tpu.vector_load %arg13[%get3A_396, %get3A_397] {strides = array<i32>} : memref<1280x64xf32, #tpu.memory_space<vmem>>, vector<16xf32>,
          %mul3A_399 = arith.mulf %get3A_398, %get3A_205 : vector<16xf32>
          %add3A_400 = arith.addf %add3A_395, %mul3A_399 : vector<16xf32>
          %reduce_sum3A_401 = arith.constant true
          %reduce_sum3A_402 = vector.broadcast %reduce_sum3A_401 : i1 to vector<16xi1>
          %reduce_sum3A_403 = tpu.scan <sum>, %add3A_400 masked %reduce_sum3A_402 : vector<16xf32>, vector<16xi1> -> vector<16xf32>
          %reduce_sum3A_404 = vector.extract %reduce_sum3A_403[15] : f32 from vector<16xf32>
          %mul3A_405 = arith.constant 21 : i32
          %mul3A_406 = arith.muli %scan3A_194, %mul3A_405 : i32
          %add3A_407 = arith.constant 1 : i32
          %add3A_408 = arith.addi %mul3A_406, %add3A_407 : i32
          %add3A_409 = arith.addi %add3A_408, %scan3A_378 : i32
          %broadcast_in_dim3A_410 = vector.broadcast %add3A_409 : i32 to vector<16xi32>
          %broadcast_in_dim3A_411 = vector.broadcast %reduce_sum3A_404 : f32 to vector<16xf32>
          tpu.vector_store_idx %arg14[%broadcast_in_dim3A_410], %broadcast_in_dim3A_411 masked %lt3A_2 : memref<1344xf32, #tpu.memory_space<vmem>>[vector<16xi32>], vector<16xf32>, vector<16xi1>
        }
        %scan3A_237 = arith.constant 20 : i32
      }
      %scan3A_191 = arith.constant 64 : i32
      %mul3A_192 = arith.constant 21 : i32
      %mul3A_193 = arith.muli %add3A_13, %mul3A_192 : i32
      "tpu.region"() ({
        %run_scoped3A = tpu.sem_alloc : memref<!tpu.dma_semaphore, #tpu.memory_space<semaphore_mem>>
        %dma_start3A_194 = tpu.memref_slice %arg7[%mul3A_193] : memref<344064xf32, #tpu.memory_space<hbm>> -> memref<1344xf32, #tpu.memory_space<hbm>>
        %dma_start3A_195 = tpu.memref_slice %arg7[%mul3A_193] : memref<344064xf32, #tpu.memory_space<hbm>> -> memref<1344xf32, #tpu.memory_space<hbm>>
        tpu.enqueue_dma source(%arg14 : memref<1344xf32, #tpu.memory_space<vmem>>) target(%dma_start3A_195 : memref<1344xf32, #tpu.memory_space<hbm>>) target_semaphore(%run_scoped3A : memref<!tpu.dma_semaphore, #tpu.memory_space<semaphore_mem>>)
        %dma_wait3A_196 = tpu.memref_slice %arg7[%mul3A_193] : memref<344064xf32, #tpu.memory_space<hbm>> -> memref<1344xf32, #tpu.memory_space<hbm>>
        %dma_wait3A_197 = tpu.memref_slice %arg7[%mul3A_193] : memref<344064xf32, #tpu.memory_space<hbm>> -> memref<1344xf32, #tpu.memory_space<hbm>>
        tpu.wait_dma2 semaphore(%run_scoped3A : memref<!tpu.dma_semaphore, #tpu.memory_space<semaphore_mem>>) src(%arg14 : memref<1344xf32, #tpu.memory_space<vmem>>) dst(%dma_wait3A_197 : memref<1344xf32, #tpu.memory_space<hbm>>)
        tpu.yield
      }) : () -> ()
    }
    %scan3A_7 = arith.constant 8 : i32
    return
  }
}

module attributes {stable_mosaic.version = 14 : i64} {
  func.func @body(%arg0: memref<16384x21xf32, #tpu.memory_space<vmem>>, %arg1: memref<1x1xf32, #tpu.memory_space<smem>>) attributes {dimension_semantics = [], scalar_prefetch = 0 : i64, scratch_operands = 0 : i64, tpu.core_type = #tpu.core_type<tc>} {
    %get3A = arith.constant 0 : index
    %get3A_0 = arith.constant 0 : index
    %get3A_1 = vector.load %arg0[%get3A, %get3A_0] : memref<16384x21xf32, #tpu.memory_space<vmem>>, vector<16384x21xf32>
    %jit3A = arith.constant -1.000000e+01 : f32
    %jit3A_2 = arith.constant 1.000000e+01 : f32
    %max3A = vector.broadcast %jit3A : f32 to vector<16384x21xf32>
    %max3A_3 = arith.maximumf %max3A, %get3A_1 : vector<16384x21xf32>
    %min3A = vector.broadcast %jit3A_2 : f32 to vector<16384x21xf32>
    %min3A_4 = arith.minimumf %min3A, %max3A_3 : vector<16384x21xf32>
    %exp3A = math.exp %min3A_4 : vector<16384x21xf32>
    %add3A = arith.constant 1.000000e+00 : f32
    %add3A_5 = vector.broadcast %add3A : f32 to vector<16384x21xf32>
    %add3A_6 = arith.addf %add3A_5, %exp3A : vector<16384x21xf32>
    %log3A = math.log %add3A_6 : vector<16384x21xf32>
    %reduce_sum3A = vector.shape_cast %log3A : vector<16384x21xf32> to vector<1x16384x21xf32>
    %reduce_sum3A_7 = arith.constant dense<0.000000e+00> : vector<1xf32>
    %reduce_sum3A_8 = vector.multi_reduction <add>, %reduce_sum3A, %reduce_sum3A_7 [1, 2] : vector<1x16384x21xf32> to vector<1xf32>
    %reduce_sum3A_9 = vector.shape_cast %reduce_sum3A_8 : vector<1xf32> to vector<1x1x1xf32>
    %reduce_sum3A_10 = vector.extract %reduce_sum3A_9[0, 0, 0] : f32 from vector<1x1x1xf32>
    %mul3A = arith.constant 6.10351563E-5 : f32
    %mul3A_11 = arith.mulf %reduce_sum3A_10, %mul3A : f32
    %swap3A = arith.constant 0 : index
    %swap3A_12 = arith.constant 0 : index
    %swap3A_13 = memref.load %arg1[%swap3A, %swap3A_12] : memref<1x1xf32, #tpu.memory_space<smem>>
    memref.store %mul3A_11, %arg1[%swap3A, %swap3A_12] : memref<1x1xf32, #tpu.memory_space<smem>>
    return
  }
}

</mosaic_0001>

<sc_bundles>
// kernel: kernel.4.cloned.1.call-start
scs
__scs_entry_jumppad:
0x0: {  	(pc) =	sbr.rel $0x88, $3  }
0x1: {  	(tag) =	ssettag $0x0;
	lr =	simm.s32 $0x1  }
0x2: {  	[smem:$0x3F9C] =	sst lr;
	_ =	strace $0xD0000000  }
0x3: {  	_ = 	snop  }
0x4: {  	_ = 	snop  }
0x5: {  	_ = 	snop  }
0x6: {  	_ = 	snop  }
0x7: {  	_ = 	snop  }
__scs_overlays_trampoline_lowered:
0x8: {  	[smem:$0x3FAB] =	sst s0  }
0x9: {  	[smem:$0x3FAC] =	sst s1  }
0xa: {  	[smem:$0x3FAD] =	sst s2  }
0xb: {  	[smem:$0x3FAE] =	sst s3  }
0xc: {  	[smem:$0x3FAF] =	sst s4  }
0xd: {  	[smem:$0x3FB0] =	sst s5  }
0xe: {  	[smem:$0x3FB1] =	sst s6  }
0xf: {  	[smem:$0x3FB2] =	sst s7  }
0x10: {  	[smem:$0x3FB3] =	sst s8  }
0x11: {  	[smem:$0x3FB4] =	sst s9;
	s0 =	simm.s32 @!p0 $0x0  }
0x12: {  	s1 =	sld [smem:$0x3F9A];
	s0 =	simm.s32 @p0 $0x1  }
0x13: {  	[smem:$0x3FB5] =	sst s0;
	s0 =	simm.s32 @!p1 $0x0  }
0x14: {  	s2 =	sld [smem:$0x3F99];
	s0 =	simm.s32 @p1 $0x1  }
0x15: {  	[smem:$0x3FB6] =	sst s0;
	s0 =	simm.s32 @!p2 $0x0  }
0x16: {  	s3 =	sld [smem:$0x3FDB];
	s0 =	simm.s32 @p2 $0x1  }
0x17: {  	s4 =	simm.s32 $0x1BF5;
	[smem:$0x3FB8] =	sst s0  }
0x18: {  	s0 =	sld [smem:$0x3F9B];
	_ =	swait.ge [sflag:s4], $0x0  }
0x19: {  	s7 =	sld [smem:$0x3F9C]  }
0x1a: {  	s8 =	sadd.s32 $0xFFFFE003, lr  }
0x1b: {  	s9 =	sadd.s32 $0xFFFFFEF7, lr;
	s5 =	simm.s32 $0xFFFFFFFF;
	p2 =	slt.u32 s8, $0xFFFFF086  }
0x1c: {  	p1 =	slt.u32 s9, $0xF7A;
	s5 =	simm.s32 @!p2 $0x0  }
0x1d: {  	s5 =	simm.s32 @p1 $0x1;
	p0 =	seq.s32 s7, s2  }
0x1e: {  	s7 =	smul.u32 @!p0 $0xF7A, s2;
	p2 =	seq.s32 @!p0 s5, $0x0  }
0x1f: {  	s9 =	smul.u32 $0xF7A, s1;
	s8 =	simm.s32 @!p0 $0x1BF5;
	p2 =	por !p2, p0  }
0x20: {  	[sflag:s8] =	ssyncset.s32 @!p0 $0xFFFFF086;
	s6 =	sadd.s32 @!p0 s3, s7;
	s7 =	simm.s32 @!p0 $0x108  }
0x21: {  	s3 =	sadd.s32 s3, s9;
	s6 =	sadd.s32 @!p0 $0x88, s6;
	s7 =	simm.s32 @p2 $0x1082  }
0x22: {  	[simem:s7], [sflag:s8] =	dma.local @!p0 [hbm:s6], $0xF7A  }
0x23: {  	s9 =	sor.u32 $0xD0000000, s2;
	s6 =	simm.s32 $0x108;
	_ =	swait.ge @!p0 [sflag:s8], $0x0  }
0x24: {  	s3 =	sadd.s32 $0x88, s3;
	s6 =	simm.s32 @!p1 $0x1082;
	[sflag:s4] =	ssyncset.s32 $0xFFFFF086  }
0x25: {  	[simem:s6], [sflag:s4] =	dma.local [hbm:s3], $0xF7A  }
0x26: {  	[smem:$0x3F9C] =	sst s1;
	(tag) =	ssettag s2;
	_ =	strace s9  }
0x27: {  	s1 =	sld [smem:$0x3FAC]  }
0x28: {  	s2 =	sld [smem:$0x3FAD]  }
0x29: {  	s4 =	sld [smem:$0x3FAF]  }
0x2a: {  	p0 =	seq.s32 s5, $0x0;
	s5 =	sld [smem:$0x3FB0]  }
0x2b: {  	s6 =	sld [smem:$0x3FB1]  }
0x2c: {  	s7 =	sld [smem:$0x3FB2]  }
0x2d: {  	s3 =	simm.s32 $0x108;
	s8 =	sld [smem:$0x3FB3]  }
0x2e: {  	s3 =	simm.s32 @!p0 $0x1082;
	s9 =	sld [smem:$0x3FB4]  }
0x2f: {  	lr =	sadd.s32 s0, s3;
	s0 =	sld [smem:$0x3FAB]  }
0x30: {  	s3 =	sld [smem:$0x3FAE]  }
0x31: {  	[smem:$0x3FB7] =	sst s10  }
0x32: {  	s10 =	sld [smem:$0x3FB5];
	_ =	sdelay $0x3  }
0x33: {  	p0 =	seq.s32 s10, $0x1;
	s10 =	sld [smem:$0x3FB7];
	_ =	sdelay $0x3  }
0x34: {  	[smem:$0x3FB7] =	sst s10  }
0x35: {  	s10 =	sld [smem:$0x3FB6];
	_ =	sdelay $0x3  }
0x36: {  	p1 =	seq.s32 s10, $0x1;
	s10 =	sld [smem:$0x3FB7];
	_ =	sdelay $0x3  }
0x37: {  	[smem:$0x3FB7] =	sst s10  }
0x38: {  	s10 =	sld [smem:$0x3FB8]  }
0x39: {  	_ = 	snop;
	(pc) =	sbr.ind lr, $3  }
0x3a: {  	_ = 	snop  }
0x3b: {  	_ = 	snop  }
0x3c: {  	p2 =	seq.s32 s10, $0x1;
	s10 =	sld [smem:$0x3FB7]  }
0x3d: {  	_ =	shalt  }
0x3e: {  	_ =	shalt  }
0x3f: {  	_ =	shalt  }
0x40: {  	_ =	shalt  }
0x41: {  	_ =	shalt  }
0x42: {  	_ =	shalt  }
0x43: {  	_ =	shalt  }
0x44: {  	_ =	shalt  }
0x45: {  	_ =	shalt  }
0x46: {  	_ =	shalt  }
0x47: {  	_ =	shalt  }
0x48: {  	_ =	shalt  }
0x49: {  	_ =	shalt  }
0x4a: {  	_ =	shalt  }
0x4b: {  	_ =	shalt  }
0x4c: {  	_ =	shalt  }
0x4d: {  	_ =	shalt  }
0x4e: {  	_ =	shalt  }
0x4f: {  	_ =	shalt  }
0x50: {  	_ =	shalt  }
0x51: {  	_ =	shalt  }
0x52: {  	_ =	shalt  }
0x53: {  	_ =	shalt  }
0x54: {  	_ =	shalt  }
0x55: {  	_ =	shalt  }
0x56: {  	_ =	shalt  }
0x57: {  	_ =	shalt  }
0x58: {  	_ =	shalt  }
0x59: {  	_ =	shalt  }
0x5a: {  	_ =	shalt  }
0x5b: {  	_ =	shalt  }
0x5c: {  	_ =	shalt  }
0x5d: {  	_ =	shalt  }
0x5e: {  	_ =	shalt  }
0x5f: {  	_ =	shalt  }
0x60: {  	_ =	shalt  }
0x61: {  	_ =	shalt  }
0x62: {  	_ =	shalt  }
0x63: {  	_ =	shalt  }
0x64: {  	_ =	shalt  }
0x65: {  	_ =	shalt  }
0x66: {  	_ =	shalt  }
0x67: {  	_ =	shalt  }
0x68: {  	_ =	shalt  }
0x69: {  	_ =	shalt  }
0x6a: {  	_ =	shalt  }
0x6b: {  	_ =	shalt  }
0x6c: {  	_ =	shalt  }
0x6d: {  	_ =	shalt  }
0x6e: {  	_ =	shalt  }
0x6f: {  	_ =	shalt  }
0x70: {  	_ =	shalt  }
0x71: {  	_ =	shalt  }
0x72: {  	_ =	shalt  }
0x73: {  	_ =	shalt  }
0x74: {  	_ =	shalt  }
0x75: {  	_ =	shalt  }
0x76: {  	_ =	shalt  }
0x77: {  	_ =	shalt  }
0x78: {  	_ =	shalt  }
0x79: {  	_ =	shalt  }
0x7a: {  	_ =	shalt  }
0x7b: {  	_ =	shalt  }
0x7c: {  	_ =	shalt  }
0x7d: {  	_ =	shalt  }
0x7e: {  	_ =	shalt  }
0x7f: {  	_ =	shalt  }
0x80: {  	_ =	shalt  }
0x81: {  	_ =	shalt  }
0x82: {  	_ =	shalt  }
0x83: {  	_ =	shalt  }
0x84: {  	_ =	shalt  }
0x85: {  	_ =	shalt  }
0x86: {  	_ =	shalt  }
0x87: {  	_ =	shalt  }
.Lfunc_end0:
.L_simem_size_0:
called_computation_lowered:
.L_overlay_start_0:
0x88: {  	s2 =	sld [smem:$0x3FD9]  }
0x89: {  	s3 =	sld [smem:$0x3FFE];
	_ =	sdelay $0x1  }
0x8a: {  	s1 =	srdreg.scid  }
0x8b: {  	s0 =	sand.u32 $0x1, s1  }
0x8c: {  	s17 =	sshll.u32 s0, $0xA;
	s2 =	sadd.s32 s3, s2  }
0x8d: {  	s2 =	sadd.s32 s2, s17  }
0x8e: {  	[smem:$0x3FC3] =	sst s2  }
0x8f: {  	_ = 	snop  }
0x90: {  	s2 =	sld [smem:$0x3FC9]  }
0x91: {  	s18 =	sld [smem:$0x3FC8];
	(tm) =	ssettm $0x1  }
0x92: {  	s4 =	sld [smem:$0x3FFB];
	_ =	sdelay $0x3  }
0x93: {  	_ =	strace s4  }
0x94: {  	s4 =	sld [smem:$0x3FFC];
	_ =	sdelay $0x3  }
0x95: {  	_ =	strace s4  }
0x96: {  	s4 =	sld [smem:$0x3FFD];
	_ =	sdelay $0x3  }
0x97: {  	_ =	strace s4  }
0x98: {  	_ =	strace $0x8FFFFFFF  }
0x99: {  	s19 =	sld [smem:$0x3FDB];
	_ =	sdelay $0x1  }
0x9a: {  	s5 =	simm.s32 $_scs_section_size  }
0x9b: {  	s6 =	simm.s32 $_size__tile_overlayer_lowered;
	s7 =	simm.s32 $_tile_overlayer_lowered  }
0x9c: {  	s22 =	simm.s32 $0x1BFF;
	s21 =	sshll.u32 s7, $0x1;
	s4 =	sadd.s32 s5, s19  }
0x9d: {  	s8 =	simm.s32 $0x0;
	s20 =	sshll.u32 s6, $0x1;
	s6 =	sadd.s32 s21, s4  }
0x9e: {  	[timem:s8], [sflag:s22] =	dma.local [hbm:s6], s20  }
0x9f: {  	_ =	swait.ge [sflag:s22], s20  }
0xa0: {  	s5 =	ssub.s32 $0x0, s20;
	[sflag:s22] =	ssyncset.done $0x0  }
0xa1: {  	[sflag:s22] =	ssyncadd.s32 s5;
	_ =	sdelay $0x1  }
0xa2: {  	s23 =	simm.s32 $0x1B8B  }
0xa3: {  	_ =	swait.ge [sflag:s23], $0x1  }
0xa4: {  	[sflag:s23] =	ssyncset.done $0x0  }
0xa5: {  	s25 =	simm.s32 $0x1B8E;
	s24 =	sld [smem:$0x3FFE];
	[sflag:s23] =	ssyncadd.s32 $0xFFFFFFFF  }
0xa6: {  	s26 =	simm.s32 $execute0_lowered;
	[smem:$0x3FD2] =	sst s25  }
0xa7: {  	s6 =	sshll.u32 s26, $0x1;
	_ =	strace $0x80000046;
	[dreg:$0x1] =	wrdreg $0xFFFFFFFF  }
0xa8: {  	s28 =	simm.s32 $_size_execute0_lowered;
	s4 =	sadd.s32 s4, s6;
	[dreg:$0x0] =	wrdreg $0x0  }
0xa9: {  	s6 =	sshll.u32 s28, $0x1;
	[dreg:$0x2] =	wrdreg s4  }
0xaa: {  	[dreg:$0x3] =	wrdreg s6  }
0xab: {  	[dreg:$0x4] =	wrdreg $0xC0  }
0xac: {  	_ =	task [dreg:s8], $0x5FFFF  }
0xad: {  	[dreg:$0x1] =	wrdreg $0xFFFFFFFF  }
0xae: {  	[dreg:$0x0] =	wrdreg $0x60  }
0xaf: {  	[dreg:$0x2] =	wrdreg s2  }
0xb0: {  	[dreg:$0x3] =	wrdreg s18  }
0xb1: {  	[dreg:$0x4] =	wrdreg s24  }
0xb2: {  	[dreg:$0x5] =	wrdreg $0x9  }
0xb3: {  	_ =	task.clear_ibuf [dreg:s8], $0x6FFFF;
	_ =	strace $0x90000046  }
0xb4: {  	s29 =	simm.s32 $0x9;
	_ =	strace $0x80000048  }
0xb5: {  	_ =	swait.ge [sflag:s29], $0x1  }
0xb6: {  	[sflag:s29] =	ssyncadd.s32 $0xFFFFFFFF  }
0xb7: {  	_ =	strace $0x90000048  }
0xb8: {  	_ =	sfence  }
0xb9: {  	s30 =	sld [smem:$0x0];
	_ =	sdelay $0x2  }
0xba: {  	s31 =	sshll.u32 s1, $0xD;
	s1 =	sshrl.u32 s1, $0x2  }
0xbb: {  	s3 =	sand.u32 $0x4000, s31;
	s1 =	sadd.s32 s1, s30  }
0xbc: {  	s0 =	sor.u32 s3, s0;
	s1 =	sshll.u32 s1, $0x11  }
0xbd: {  	s0 =	sor.u32 s1, s0  }
0xbe: {  	s0 =	sadd.s32 $0x8F2B, s0  }
0xbf: {  	[sflag:s0] =	ssyncadd.remote.s32 $0x1  }
0xc0: {  	_ =	sfence.sel $0xFFFF  }
0xc1: {  	[dreg:$0x0] =	wrdreg $0xFFFFFFFF;
	(pc) =	sbr.abs _section_cstart, $3  }
0xc2: {  	[dreg:$0x1] =	wrdreg $0xFFFFFFFF  }
0xc3: {  	_ =	task.clear_ibuf [dreg:s8], $0x2FFFF;
	_ =	strace $0x9FFFFFFF  }
0xc4: {  	(tm) =	ssettm $0x7FFFFFFF  }
0xc5: {  	_ =	shalt  }
tec
execute0_lowered:
.L_overlay_start_1:
0x0: {  	(tag) =	ssettag $0x1  }
0x1: {  	s0 =	rddreg [dreg:$0x2];
	s1 =	simm.s32 $0x0  }
0x2: {  	s24 =	srdreg.scid;
	s4 =	stileid.u32;
	s11 =	simm.s32 $0x2  }
0x3: {  	s12 =	simm.s32 $0x40;
	s13 =	simm.s32 $0x80;
	s28 =	simm.s32 $0x380  }
0x4: {  	s29 =	simm.s32 $0xE580;
	s30 =	simm.s32 $0x400;
	s31 =	simm.s32 $0x10580  }
0x5: {  	s10 =	simm.s32 $0x500;
	s15 =	simm.s32 $0x0;
	[smem:$0x7FF] =	sst s1  }
0x6: {  	s1 =	sand.u32 $0x1, s24;
	s5 =	sadd.s32 $0x600, s0;
	s6 =	sadd.s32 $0x16E3C00, s0  }
0x7: {  	s7 =	sadd.s32 $0xF42A00, s0;
	s25 =	sshll.u32 s4, $0xA;
	s8 =	sadd.s32 $0xA600, s0  }
0x8: {  	s0 =	simm.s32 $0x480;
	s4 =	simm.s32 $0x12580;
	s2 =	ssub.s32 $0x2, s1  }
0x9: {  	_ =	strace $0x80000047;
	s1 =	sshll.u32 s1, $0x9;
	s3 =	sshrl.u32 s2, $0x1  }
0xa: {  	s9 =	sor.u32 s1, s25;
	s25 =	simm.s32 $0x300;
	s2 =	ssub.s32 s2, s3  }
0xb: {  	s1 =	simm.s32 $0x14580;
	s3 =	simm.s32 $0x16580;
	s26 =	smax.u32 s2, $0x1  }
0xc: {  	s2 =	simm.s32 $0x1;
	[dreg:$0x4] =	wrdreg s26;
	s26 =	simm.s32 $0xC580  }
.LBB2_1:
0xd: {  	[dreg:$0x5] =	wrdreg s15;
	s14 =	simm.s32 $0x0  }
.LBB2_2:
0xe: {  	s15 =	sshll.u32 s14, $0x6  }
0xf: {  	s15 =	sadd.s32 s9, s15  }
0x10: {  	s16 =	rddreg [dreg:$0x0];
	s17 =	sshrl.u32 s15, $0x3  }
0x11: {  	s18 =	sadd.s32 s16, s17;
	s16 =	simm.s32 $0x0  }
0x12: {  	[tilespmem:s16], [sflag:$0x2] =	stream.linear.gather [hbm4b:s18+s16], $0x40, $0x38;
	[tilespmem:$0x16AC0] =	vst v63  }
0x13: {  	_ =	swait.ge [sflag:s11], $0x40  }
0x14: {  	[sflag:s11] =	ssyncset.done $0x0  }
0x15: {  	[sflag:s11] =	ssyncadd.s32 $0xFFFFFFC0  }
0x16: {  	s24 =	rddreg [dreg:$0x1]  }
0x17: {  	s19 =	smul.u32 $0x14, s15;
	s17 =	sadd.s32 s24, s17  }
0x18: {  	[tilespmem:s12], [sflag:$0x2] =	stream.linear.gather [hbm4b:s17+s16], $0x40, $0x38;
	[tilespmem:$0x16AC0] =	vst v63  }
0x19: {  	_ =	swait.ge [sflag:s11], $0x40  }
0x1a: {  	s17 =	sshrl.u32 s19, $0x3;
	[sflag:s11] =	ssyncset.done $0x0  }
0x1b: {  	s17 =	sadd.s32 s5, s17;
	[sflag:s11] =	ssyncadd.s32 $0xFFFFFFC0  }
0x1c: {  	[tilespmem:s13], [sflag:$0x2] =	stream.linear.gather [hbm4b:s17+s16], $0x500, $0x38;
	[tilespmem:$0x16AC0] =	vst v63  }
0x1d: {  	_ =	swait.ge [sflag:s11], $0x500  }
0x1e: {  	[sflag:s11] =	ssyncset.done $0x0  }
0x1f: {  	s20 =	simm.s32 $0x580;
	[sflag:s11] =	ssyncadd.s32 $0xFFFFFB00  }
0x20: {  	[tilespmem:s20], [sflag:$0x1] =	stream.indirect.gather [hbm4b:s6+s12], $0x40, s16, s12, $0xb8;
	[tilespmem:$0x16AC0] =	vst v63  }
0x21: {  	s21 =	simm.s32 $0x1580  }
0x22: {  	[tilespmem:s21], [sflag:$0x1] =	stream.indirect.gather [hbm4b:s7+s12], $0x40, s12, s12, $0xb8;
	[tilespmem:$0x16AC0] =	vst v63  }
0x23: {  	s22 =	simm.s32 $0x2580  }
0x24: {  	[tilespmem:s22], [sflag:$0x1] =	stream.indirect.gather [hbm4b:s7+s13], $0x40, s13, s13, $0xb8;
	[tilespmem:$0x16AC0] =	vst v63  }
0x25: {  	s23 =	simm.s32 $0x100;
	s24 =	simm.s32 $0x4580  }
0x26: {  	[tilespmem:s24], [sflag:$0x1] =	stream.indirect.gather [hbm4b:s7+s13], $0x40, s23, s13, $0xb8;
	[tilespmem:$0x16AC0] =	vst v63  }
0x27: {  	s19 =	simm.s32 $0x180;
	s20 =	simm.s32 $0x6580  }
0x28: {  	[tilespmem:s20], [sflag:$0x1] =	stream.indirect.gather [hbm4b:s7+s13], $0x40, s19, s13, $0xb8;
	[tilespmem:$0x16AC0] =	vst v63  }
0x29: {  	s21 =	simm.s32 $0x200;
	s22 =	simm.s32 $0x8580  }
0x2a: {  	[tilespmem:s22], [sflag:$0x1] =	stream.indirect.gather [hbm4b:s7+s13], $0x40, s21, s13, $0xb8;
	[tilespmem:$0x16AC0] =	vst v63  }
0x2b: {  	s23 =	simm.s32 $0x280;
	s24 =	simm.s32 $0xA580  }
0x2c: {  	[tilespmem:s24], [sflag:$0x1] =	stream.indirect.gather [hbm4b:s7+s13], $0x40, s23, s13, $0xb8;
	[tilespmem:$0x16AC0] =	vst v63  }
0x2d: {  	_ = 	snop  }
0x2e: {  	[tilespmem:s26], [sflag:$0x1] =	stream.indirect.gather [hbm4b:s7+s13], $0x40, s25, s13, $0xb8;
	[tilespmem:$0x16AC0] =	vst v63  }
0x2f: {  	_ = 	snop  }
0x30: {  	[tilespmem:s29], [sflag:$0x1] =	stream.indirect.gather [hbm4b:s7+s13], $0x40, s28, s13, $0xb8;
	[tilespmem:$0x16AC0] =	vst v63  }
0x31: {  	_ = 	snop  }
0x32: {  	[tilespmem:s31], [sflag:$0x1] =	stream.indirect.gather [hbm4b:s7+s13], $0x40, s30, s13, $0xb8;
	[tilespmem:$0x16AC0] =	vst v63  }
0x33: {  	_ = 	snop  }
0x34: {  	[tilespmem:s4], [sflag:$0x1] =	stream.indirect.gather [hbm4b:s7+s13], $0x40, s0, s13, $0xb8;
	[tilespmem:$0x16AC0] =	vst v63  }
0x35: {  	_ = 	snop  }
0x36: {  	[tilespmem:s1], [sflag:$0x1] =	stream.indirect.gather [hbm4b:s7+s13], $0x40, s10, s13, $0xb8;
	[tilespmem:$0x16AC0] =	vst v63  }
0x37: {  	_ =	swait.ge [sflag:s2], $0x1000  }
0x38: {  	[sflag:s2] =	ssyncset.done $0x0  }
0x39: {  	[sflag:s2] =	ssyncadd.s32 $0xFFFFF000  }
0x3a: {  	_ =	swait.ge [sflag:s2], $0x1000  }
0x3b: {  	[sflag:s2] =	ssyncset.done $0x0  }
0x3c: {  	[sflag:s2] =	ssyncadd.s32 $0xFFFFF000  }
0x3d: {  	_ =	swait.ge [sflag:s2], $0x2000  }
0x3e: {  	[sflag:s2] =	ssyncset.done $0x0  }
0x3f: {  	[sflag:s2] =	ssyncadd.s32 $0xFFFFE000  }
0x40: {  	_ =	swait.ge [sflag:s2], $0x2000  }
0x41: {  	[sflag:s2] =	ssyncset.done $0x0  }
0x42: {  	[sflag:s2] =	ssyncadd.s32 $0xFFFFE000  }
0x43: {  	_ =	swait.ge [sflag:s2], $0x2000  }
0x44: {  	[sflag:s2] =	ssyncset.done $0x0  }
0x45: {  	[sflag:s2] =	ssyncadd.s32 $0xFFFFE000  }
0x46: {  	_ =	swait.ge [sflag:s2], $0x2000  }
0x47: {  	[sflag:s2] =	ssyncset.done $0x0  }
0x48: {  	[sflag:s2] =	ssyncadd.s32 $0xFFFFE000  }
0x49: {  	_ =	swait.ge [sflag:s2], $0x2000  }
0x4a: {  	[sflag:s2] =	ssyncset.done $0x0  }
0x4b: {  	[sflag:s2] =	ssyncadd.s32 $0xFFFFE000  }
0x4c: {  	_ =	swait.ge [sflag:s2], $0x2000  }
0x4d: {  	[sflag:s2] =	ssyncset.done $0x0  }
0x4e: {  	[sflag:s2] =	ssyncadd.s32 $0xFFFFE000  }
0x4f: {  	_ =	swait.ge [sflag:s2], $0x2000  }
0x50: {  	[sflag:s2] =	ssyncset.done $0x0  }
0x51: {  	[sflag:s2] =	ssyncadd.s32 $0xFFFFE000  }
0x52: {  	_ =	swait.ge [sflag:s2], $0x2000  }
0x53: {  	[sflag:s2] =	ssyncset.done $0x0  }
0x54: {  	[sflag:s2] =	ssyncadd.s32 $0xFFFFE000  }
0x55: {  	_ =	swait.ge [sflag:s2], $0x2000  }
0x56: {  	[sflag:s2] =	ssyncset.done $0x0  }
0x57: {  	[sflag:s2] =	ssyncadd.s32 $0xFFFFE000  }
0x58: {  	_ =	swait.ge [sflag:s2], $0x2000  }
0x59: {  	[sflag:s2] =	ssyncset.done $0x0  }
0x5a: {  	s18 =	simm.s32 $0x0;
	s20 =	simm.s32 $0x2620;
	[sflag:s2] =	ssyncadd.s32 $0xFFFFE000  }
.LBB2_3:
0x5b: {  	s17 =	sshll.u32 s18, $0x6  }
0x5c: {  	v0 =	vld [tilespmem:s17+$0x580]  }
0x5d: {  	v1 =	vld [tilespmem:s17+$0x590]  }
0x5e: {  	v4 =	vld [tilespmem:s17+$0x1580]  }
0x5f: {  	v5 =	vld [tilespmem:s17+$0x1590]  }
0x60: {  	v2 =	vld [tilespmem:s17+$0x5A0]  }
0x61: {  	v6 =	vld [tilespmem:s17+$0x15A0]  }
0x62: {  	v3 =	vld [tilespmem:s17+$0x5B0]  }
0x63: {  	v7 =	vld [tilespmem:s17+$0x15B0]  }
0x64: {  	v4 =	vmul.f32 v4, v0;
	v5 =	vmul.f32 v5, v1;
	_ =	sdelay $0x1  }
0x65: {  	v4 =	vadd.f32 v5, v4;
	v5 =	vmul.f32 v6, v2;
	_ =	sdelay $0x1  }
0x66: {  	v4 =	vadd.f32 v5, v4;
	v5 =	vmul.f32 v7, v3;
	_ =	sdelay $0x1  }
0x67: {  	v4 =	vadd.f32 v5, v4;
	_ =	sdelay $0x1  }
0x68: {  	(xrf2) =	vadd.scan.msk.f32 $0xffff, v4;
	_ =	sdelay $0x9  }
0x69: {  	v4, _, _ =	vpop (xrf2)  }
0x6a: {  	(v2sf) =	vpush v4, $0xF;
	_ =	sdelay $0xb  }
0x6b: {  	s24 =	smul.u32 $0x15, s18;
	_ =	sdelay $0x1  }
0x6c: {  	v4 =	vmov s24  }
0x6d: {  	s19 =	spop (v2sf)  }
0x6e: {  	s17 =	ssub.f32 $0.0e+00, s19;
	_ =	sdelay $0x1  }
0x6f: {  	v5 =	vmov s17  }
0x70: {  	[tilespmem:v4+s3+$0x0] =	vst.idx.msk $0x1, v5  }
0x71: {  	v4 =	vld [tilespmem:s20+$0xFFFFFF70]  }
0x72: {  	v5 =	vld [tilespmem:s20+$0xFFFFFF60];
	_ =	sdelay $0x1  }
0x73: {  	v6 =	vld [tilespmem:s20+$0xFFFFFF80];
	_ =	sdelay $0x1  }
0x74: {  	v7 =	vld [tilespmem:s20+$0xFFFFFF90]  }
0x75: {  	v5 =	vmul.f32 v5, v0;
	v4 =	vmul.f32 v4, v1;
	_ =	sdelay $0x1  }
0x76: {  	v4 =	vadd.f32 v4, v5;
	v5 =	vmul.f32 v6, v2;
	_ =	sdelay $0x1  }
0x77: {  	v4 =	vadd.f32 v5, v4;
	v5 =	vmul.f32 v7, v3;
	_ =	sdelay $0x1  }
0x78: {  	v4 =	vadd.f32 v5, v4;
	_ =	sdelay $0x1  }
0x79: {  	(xrf2) =	vadd.scan.msk.f32 $0xffff, v4;
	_ =	sdelay $0x5  }
0x7a: {  	s21 =	sadd.s32 $0xFFFFFFFB, s16  }
0x7b: {  	s19 =	sadd.s32 $0x6, s21  }
0x7c: {  	v4 =	vmov s19;
	_ =	sdelay $0x1  }
0x7d: {  	v5, _, _ =	vpop (xrf2)  }
0x7e: {  	v5 =	vbroadcast v5, $0xF;
	_ =	sdelay $0x1  }
0x7f: {  	[tilespmem:v4+s3+$0x0] =	vst.idx.msk $0x1, v5  }
0x80: {  	v4 =	vld [tilespmem:s20+$0xFFFFFFA0]  }
0x81: {  	v5 =	vld [tilespmem:s20+$0xFFFFFFB0];
	_ =	sdelay $0x1  }
0x82: {  	v6 =	vld [tilespmem:s20+$0xFFFFFFC0];
	_ =	sdelay $0x1  }
0x83: {  	v7 =	vld [tilespmem:s20+$0xFFFFFFD0]  }
0x84: {  	v4 =	vmul.f32 v4, v0;
	v5 =	vmul.f32 v5, v1;
	_ =	sdelay $0x1  }
0x85: {  	v4 =	vadd.f32 v5, v4;
	v5 =	vmul.f32 v6, v2;
	_ =	sdelay $0x1  }
0x86: {  	v4 =	vadd.f32 v5, v4;
	v5 =	vmul.f32 v7, v3;
	_ =	sdelay $0x1  }
0x87: {  	v4 =	vadd.f32 v5, v4;
	_ =	sdelay $0x1  }
0x88: {  	(xrf2) =	vadd.scan.msk.f32 $0xffff, v4;
	_ =	sdelay $0x6  }
0x89: {  	s22 =	sadd.s32 $0x7, s21  }
0x8a: {  	v4 =	vmov s22;
	_ =	sdelay $0x1  }
0x8b: {  	v5, _, _ =	vpop (xrf2)  }
0x8c: {  	v5 =	vbroadcast v5, $0xF;
	_ =	sdelay $0x1  }
0x8d: {  	[tilespmem:v4+s3+$0x0] =	vst.idx.msk $0x1, v5  }
0x8e: {  	v4 =	vld [tilespmem:s20+$0xFFFFFFE0]  }
0x8f: {  	v5 =	vld [tilespmem:s20+$0xFFFFFFF0];
	_ =	sdelay $0x1  }
0x90: {  	v6 =	vld [tilespmem:s20+$0x0];
	_ =	sdelay $0x1  }
0x91: {  	v7 =	vld [tilespmem:s20+$0x10]  }
0x92: {  	v4 =	vmul.f32 v4, v0;
	v5 =	vmul.f32 v5, v1;
	_ =	sdelay $0x1  }
0x93: {  	v4 =	vadd.f32 v5, v4;
	v5 =	vmul.f32 v6, v2;
	_ =	sdelay $0x1  }
0x94: {  	v4 =	vadd.f32 v5, v4;
	v5 =	vmul.f32 v7, v3;
	_ =	sdelay $0x1  }
0x95: {  	v4 =	vadd.f32 v5, v4;
	_ =	sdelay $0x1  }
0x96: {  	(xrf2) =	vadd.scan.msk.f32 $0xffff, v4;
	_ =	sdelay $0x6  }
0x97: {  	s23 =	sadd.s32 $0x8, s21  }
0x98: {  	v4 =	vmov s23;
	_ =	sdelay $0x1  }
0x99: {  	v5, _, _ =	vpop (xrf2)  }
0x9a: {  	v5 =	vbroadcast v5, $0xF;
	_ =	sdelay $0x1  }
0x9b: {  	[tilespmem:v4+s3+$0x0] =	vst.idx.msk $0x1, v5  }
0x9c: {  	v4 =	vld [tilespmem:s20+$0x20]  }
0x9d: {  	v5 =	vld [tilespmem:s20+$0x30];
	_ =	sdelay $0x1  }
0x9e: {  	v6 =	vld [tilespmem:s20+$0x40];
	_ =	sdelay $0x1  }
0x9f: {  	v7 =	vld [tilespmem:s20+$0x50]  }
0xa0: {  	v4 =	vmul.f32 v4, v0;
	v5 =	vmul.f32 v5, v1;
	_ =	sdelay $0x1  }
0xa1: {  	v4 =	vadd.f32 v5, v4;
	v5 =	vmul.f32 v6, v2;
	_ =	sdelay $0x1  }
0xa2: {  	v4 =	vadd.f32 v5, v4;
	v5 =	vmul.f32 v7, v3;
	_ =	sdelay $0x1  }
0xa3: {  	v4 =	vadd.f32 v5, v4;
	_ =	sdelay $0x1  }
0xa4: {  	(xrf2) =	vadd.scan.msk.f32 $0xffff, v4;
	_ =	sdelay $0x6  }
0xa5: {  	s24 =	sadd.s32 $0x9, s21  }
0xa6: {  	v4 =	vmov s24;
	_ =	sdelay $0x1  }
0xa7: {  	v5, _, _ =	vpop (xrf2)  }
0xa8: {  	v5 =	vbroadcast v5, $0xF;
	_ =	sdelay $0x1  }
0xa9: {  	[tilespmem:v4+s3+$0x0] =	vst.idx.msk $0x1, v5  }
0xaa: {  	v4 =	vld [tilespmem:s20+$0x70]  }
0xab: {  	v5 =	vld [tilespmem:s20+$0x60];
	_ =	sdelay $0x1  }
0xac: {  	v6 =	vld [tilespmem:s20+$0x80];
	_ =	sdelay $0x1  }
0xad: {  	v7 =	vld [tilespmem:s20+$0x90]  }
0xae: {  	v5 =	vmul.f32 v5, v0;
	v4 =	vmul.f32 v4, v1;
	_ =	sdelay $0x1  }
0xaf: {  	v4 =	vadd.f32 v4, v5;
	v5 =	vmul.f32 v6, v2;
	_ =	sdelay $0x1  }
0xb0: {  	v4 =	vadd.f32 v5, v4;
	v5 =	vmul.f32 v7, v3;
	_ =	sdelay $0x1  }
0xb1: {  	v4 =	vadd.f32 v5, v4;
	_ =	sdelay $0x1  }
0xb2: {  	(xrf2) =	vadd.scan.msk.f32 $0xffff, v4;
	_ =	sdelay $0x5  }
0xb3: {  	s17 =	sadd.s32 $0xA, s21  }
0xb4: {  	s19 =	simm.s32 $0x0;
	v4 =	vmov s17;
	s17 =	smov.u32 s20  }
.LBB2_4:
0xb5: {  	s17 =	sadd.s32 $0x140, s17;
	s21 =	smov.u32 s19;
	s19 =	sadd.s32 $0x5, s19  }
0xb6: {  	p0 =	slt.u32 s19, $0xF  }
0xb7: {  	v5, _, _ =	vpop (xrf2)  }
0xb8: {  	v5 =	vbroadcast v5, $0xF;
	_ =	sdelay $0x1  }
0xb9: {  	[tilespmem:v4+s3+$0x0] =	vst.idx.msk $0x1, v5  }
0xba: {  	v4 =	vld [tilespmem:s17+$0xFFFFFF70]  }
0xbb: {  	v5 =	vld [tilespmem:s17+$0xFFFFFF60];
	_ =	sdelay $0x1  }
0xbc: {  	v6 =	vld [tilespmem:s17+$0xFFFFFF80];
	_ =	sdelay $0x1  }
0xbd: {  	v7 =	vld [tilespmem:s17+$0xFFFFFF90]  }
0xbe: {  	v4 =	vmul.f32 v4, v1;
	v5 =	vmul.f32 v5, v0;
	_ =	sdelay $0x1  }
0xbf: {  	v4 =	vadd.f32 v4, v5;
	v5 =	vmul.f32 v6, v2;
	_ =	sdelay $0x1  }
0xc0: {  	v4 =	vadd.f32 v5, v4;
	v5 =	vmul.f32 v7, v3;
	_ =	sdelay $0x1  }
0xc1: {  	v4 =	vadd.f32 v5, v4;
	_ =	sdelay $0x1  }
0xc2: {  	(xrf2) =	vadd.scan.msk.f32 $0xffff, v4;
	_ =	sdelay $0x5  }
0xc3: {  	s21 =	sadd.s32 s21, s16  }
0xc4: {  	s22 =	sadd.s32 $0x6, s21;
	s24 =	sadd.s32 $0x7, s21;
	s23 =	sadd.s32 $0x8, s21  }
0xc5: {  	v4 =	vmov s22;
	s22 =	sadd.s32 $0x9, s21;
	s21 =	sadd.s32 $0xA, s21;
	_ =	sdelay $0x1  }
0xc6: {  	v5, _, _ =	vpop (xrf2)  }
0xc7: {  	v5 =	vbroadcast v5, $0xF;
	_ =	sdelay $0x1  }
0xc8: {  	[tilespmem:v4+s3+$0x0] =	vst.idx.msk $0x1, v5  }
0xc9: {  	v4 =	vld [tilespmem:s17+$0xFFFFFFA0]  }
0xca: {  	v5 =	vld [tilespmem:s17+$0xFFFFFFB0];
	_ =	sdelay $0x1  }
0xcb: {  	v6 =	vld [tilespmem:s17+$0xFFFFFFC0];
	_ =	sdelay $0x1  }
0xcc: {  	v7 =	vld [tilespmem:s17+$0xFFFFFFD0]  }
0xcd: {  	v4 =	vmul.f32 v4, v0;
	v5 =	vmul.f32 v5, v1;
	_ =	sdelay $0x1  }
0xce: {  	v4 =	vadd.f32 v5, v4;
	v5 =	vmul.f32 v6, v2;
	_ =	sdelay $0x1  }
0xcf: {  	v4 =	vadd.f32 v5, v4;
	v5 =	vmul.f32 v7, v3;
	_ =	sdelay $0x1  }
0xd0: {  	v4 =	vadd.f32 v5, v4;
	_ =	sdelay $0x1  }
0xd1: {  	(xrf2) =	vadd.scan.msk.f32 $0xffff, v4;
	_ =	sdelay $0x7  }
0xd2: {  	v4 =	vmov s24;
	_ =	sdelay $0x1  }
0xd3: {  	v5, _, _ =	vpop (xrf2)  }
0xd4: {  	v5 =	vbroadcast v5, $0xF;
	_ =	sdelay $0x1  }
0xd5: {  	[tilespmem:v4+s3+$0x0] =	vst.idx.msk $0x1, v5  }
0xd6: {  	v4 =	vld [tilespmem:s17+$0xFFFFFFE0]  }
0xd7: {  	v5 =	vld [tilespmem:s17+$0xFFFFFFF0];
	_ =	sdelay $0x1  }
0xd8: {  	v6 =	vld [tilespmem:s17+$0x0];
	_ =	sdelay $0x1  }
0xd9: {  	v4 =	vmul.f32 v4, v0;
	v7 =	vld [tilespmem:s17+$0x10]  }
0xda: {  	v5 =	vmul.f32 v5, v1;
	_ =	sdelay $0x1  }
0xdb: {  	v4 =	vadd.f32 v5, v4;
	v5 =	vmul.f32 v6, v2;
	_ =	sdelay $0x1  }
0xdc: {  	v4 =	vadd.f32 v5, v4;
	v5 =	vmul.f32 v7, v3;
	_ =	sdelay $0x1  }
0xdd: {  	v4 =	vadd.f32 v5, v4;
	_ =	sdelay $0x1  }
0xde: {  	(xrf2) =	vadd.scan.msk.f32 $0xffff, v4;
	_ =	sdelay $0x7  }
0xdf: {  	v4 =	vmov s23;
	_ =	sdelay $0x1  }
0xe0: {  	v5, _, _ =	vpop (xrf2)  }
0xe1: {  	v5 =	vbroadcast v5, $0xF;
	_ =	sdelay $0x1  }
0xe2: {  	[tilespmem:v4+s3+$0x0] =	vst.idx.msk $0x1, v5  }
0xe3: {  	v4 =	vld [tilespmem:s17+$0x20]  }
0xe4: {  	v5 =	vld [tilespmem:s17+$0x30]  }
0xe5: {  	v6 =	vld [tilespmem:s17+$0x40]  }
0xe6: {  	v7 =	vld [tilespmem:s17+$0x50];
	_ =	sdelay $0x1  }
0xe7: {  	v4 =	vmul.f32 v4, v0  }
0xe8: {  	v5 =	vmul.f32 v5, v1;
	_ =	sdelay $0x1  }
0xe9: {  	v4 =	vadd.f32 v5, v4;
	v5 =	vmul.f32 v6, v2;
	_ =	sdelay $0x1  }
0xea: {  	v4 =	vadd.f32 v5, v4;
	v5 =	vmul.f32 v7, v3;
	_ =	sdelay $0x1  }
0xeb: {  	v4 =	vadd.f32 v5, v4;
	_ =	sdelay $0x1  }
0xec: {  	(xrf2) =	vadd.scan.msk.f32 $0xffff, v4;
	_ =	sdelay $0x7  }
0xed: {  	v4 =	vmov s22;
	_ =	sdelay $0x1  }
0xee: {  	v5, _, _ =	vpop (xrf2)  }
0xef: {  	v5 =	vbroadcast v5, $0xF;
	_ =	sdelay $0x1  }
0xf0: {  	[tilespmem:v4+s3+$0x0] =	vst.idx.msk $0x1, v5  }
0xf1: {  	v4 =	vld [tilespmem:s17+$0x70]  }
0xf2: {  	v5 =	vld [tilespmem:s17+$0x60]  }
0xf3: {  	v6 =	vld [tilespmem:s17+$0x80]  }
0xf4: {  	v7 =	vld [tilespmem:s17+$0x90];
	_ =	sdelay $0x2  }
0xf5: {  	v4 =	vmul.f32 v4, v1;
	v5 =	vmul.f32 v5, v0;
	_ =	sdelay $0x1  }
0xf6: {  	v4 =	vadd.f32 v4, v5;
	v5 =	vmul.f32 v6, v2;
	_ =	sdelay $0x1  }
0xf7: {  	v4 =	vadd.f32 v5, v4;
	v5 =	vmul.f32 v7, v3;
	_ =	sdelay $0x1  }
0xf8: {  	v4 =	vadd.f32 v5, v4;
	_ =	sdelay $0x1  }
0xf9: {  	(xrf2) =	vadd.scan.msk.f32 $0xffff, v4;
	_ =	sdelay $0x2  }
.Ltmp0:
0xfa: {  	(pc) =	sbr.rel @p0 .LBB2_4-.Ltmp0, $2  }
0xfb: {  	_ =	sdelay $0x2  }
0xfc: {  	v4 =	vmov s21  }
0xfd: {  	s18 =	sadd.s32 $0x1, s18  }
0xfe: {  	p0 =	sne.s32 s18, $0x40  }
.Ltmp1:
0xff: {  	_ = 	snop;
	(pc) =	sbr.rel @p0 .LBB2_3-.Ltmp1, $3  }
0x100: {  	v0, _, _ =	vpop (xrf2)  }
0x101: {  	v0 =	vbroadcast v0, $0xF;
	_ =	sdelay $0x1  }
0x102: {  	s16 =	sadd.s32 $0x15, s16;
	s20 =	sadd.s32 $0x500, s20;
	[tilespmem:v4+s3+$0x0] =	vst.idx.msk $0x1, v0  }
0x103: {  	s15 =	smul.u32 $0x15, s15  }
0x104: {  	s14 =	sadd.s32 $0x1, s14  }
0x105: {  	p0 =	sne.s32 s14, $0x8;
	s15 =	sshrl.u32 s15, $0x3  }
.Ltmp2:
0x106: {  	s16 =	simm.s32 $0x0;
	s15 =	sadd.s32 s8, s15;
	(pc) =	sbr.rel @p0 .LBB2_2-.Ltmp2, $4  }
0x107: {  	[hbm4b:s15+s16] =	stream.linear.scatter [tilespmem:s3], [sflag:$0x2], $0x540, $0x38;
	[tilespmem:$0x16AC0] =	vst v63  }
0x108: {  	_ =	swait.ge [sflag:s11], $0x540  }
0x109: {  	[sflag:s11] =	ssyncset.done $0x0  }
0x10a: {  	[sflag:s11] =	ssyncadd.s32 $0xFFFFFAC0  }
0x10b: {  	s15 =	rddreg [dreg:$0x5]  }
0x10c: {  	s14 =	rddreg [dreg:$0x4];
	s15 =	sadd.s32 $0x1, s15  }
0x10d: {  	p0 =	sne.s32 s15, s14  }
.Ltmp3:
0x10e: {  	_ = 	snop;
	(pc) =	sbr.rel @p0 .LBB2_1-.Ltmp3, $1  }
0x10f: {  	_ =	sdelay $0x3  }
0x110: {  	_ =	sfence.sel $0x180000  }
0x111: {  	[bflag:$0x0] =	sbarrier.arrive $0xFFFF  }
0x112: {  	_ =	strace $0x90000047  }
0x113: {  	s0 =	stileid.u32;
	[bflag:$0x2] =	sbarrier.arrive $0xFFFF  }
0x114: {  	p0 =	sne.s32 s0, $0x0;
	s0 =	rddreg [dreg:$0x3]  }
0x115: {  	s0 =	sadd.s32 @!p0 $0x100000, s0  }
0x116: {  	[sflag:s0] =	ssyncadd.tile.s32 @!p0 $0x1;
	_ =	shalt  }
.Lfunc_end2:
_tile_overlayer_lowered:
.L_overlay_start_2:
0x117: {  	(tag) =	ssettag $0x2  }
0x118: {  	s0 =	rddreg [dreg:$0x0];
	s2 =	stileid.u32  }
0x119: {  	s1 =	rddreg [dreg:$0x1];
	p0 =	sne.s32 s2, $0x0  }
0x11a: {  	s3 =	rddreg [dreg:$0x2];
	[bflag:$0x3] =	sbarrier.arrive $0xFFFF;
	s2 =	simm.s32 @!p0 $0x1C02  }
0x11b: {  	[timem:s3], [sflag:s2] =	dma.local @!p0 [hbm:s0], s1  }
0x11c: {  	s0 =	simm.s32 @!p0 $0x2  }
0x11d: {  	_ =	swait.ge @!p0 [sflag:s0], s1  }
0x11e: {  	s1 =	ssub.s32 @!p0 $0x0, s1;
	[sflag:s0] =	ssyncset.done @!p0 $0x0  }
0x11f: {  	[sflag:s0] =	ssyncadd.s32 @!p0 s1  }
0x120: {  	[bflag:$0x3] =	sbarrier.arrive $0xFFFF  }
0x121: {  	_ =	shalt  }

</sc_bundles>
